<compile_context>
chip_gen: v7x
topology: tpu7x:2x2x1
jax: 0.10.2.dev20260603
libtpu: 0.0.44.dev20260713+nightly
codegen_flags: <defaults>
</compile_context>

<pallas_src>
import functools

import jax
import jax.numpy as jnp
from jax import lax
from jax.experimental import layout as jexl
from jax.experimental import pallas as pl
from jax.experimental.pallas import tpu as pltpu
from jax.experimental.pallas import tpu_sc as plsc

LEN_TOK = 1000000
VOCAB = LEN_TOK + 1
EMB = 32
BATCH = 4096
SEQ = 200
B = BATCH * SEQ

NC = 2
NS = 16
NW = NC * NS
LANES = 16

B_PER_W = B // NW
CHUNK = 1280
NUM_CHUNKS = B_PER_W // CHUNK

assert B % (8 * NW) == 0
assert B_PER_W % CHUNK == 0 and CHUNK % 8 == 0


def _emb_body(
    tok_hbm, table_hbm, out_hbm,
    idx0, idx1, rows0, rows1, gs0, gs1, ss0, ss1,
):
    wid = lax.axis_index("s") * NC + lax.axis_index("c")
    base = wid * B_PER_W
    idx = (idx0, idx1)
    rows = (rows0, rows1)
    gsem = (gs0, gs1)
    ssem = (ss0, ss1)

    def load_shift(i, ibuf):
        off = base + i * CHUNK
        pltpu.sync_copy(tok_hbm.at[pl.ds(off, CHUNK)], ibuf)

        def shift(j, c):
            sl = pl.ds(j * LANES, LANES)
            ibuf[sl] = jnp.maximum(ibuf[sl] + 1, 0)
            return c

        lax.fori_loop(0, CHUNK // LANES, shift, 0)

    def gather(i, b):
        return pltpu.async_copy(table_hbm.at[idx[b]], rows[b], gsem[b])

    def store(i, b):
        off = base + i * CHUNK
        return pltpu.async_copy(
            rows[b], out_hbm.at[pl.ds(off, CHUNK), pl.ds(0, EMB)], ssem[b]
        )

    gh = [None] * NUM_CHUNKS
    sh = [None] * NUM_CHUNKS
    load_shift(0, idx[0])
    gh[0] = gather(0, 0)
    for i in range(1, NUM_CHUNKS):
        b = i % 2
        if i >= 2:
            sh[i - 2].wait()
        load_shift(i, idx[b])
        gh[i] = gather(i, b)
        gh[i - 1].wait()
        sh[i - 1] = store(i - 1, 1 - b)
    gh[NUM_CHUNKS - 1].wait()
    sh[NUM_CHUNKS - 1] = store(NUM_CHUNKS - 1, (NUM_CHUNKS - 1) % 2)
    sh[NUM_CHUNKS - 2].wait()
    sh[NUM_CHUNKS - 1].wait()


def _impl(tokens, text_emb_weight):
    flat = tokens.reshape(B)
    call = functools.partial(
        pl.kernel,
        mesh=plsc.VectorSubcoreMesh(core_axis_name="c", subcore_axis_name="s"),
        out_type=jax.ShapeDtypeStruct((B, 128), jnp.float32),
        scratch_types=[
            pltpu.VMEM((CHUNK,), jnp.int32),
            pltpu.VMEM((CHUNK,), jnp.int32),
            pltpu.VMEM((CHUNK, EMB), jnp.float32),
            pltpu.VMEM((CHUNK, EMB), jnp.float32),
            pltpu.SemaphoreType.DMA,
            pltpu.SemaphoreType.DMA,
            pltpu.SemaphoreType.DMA,
            pltpu.SemaphoreType.DMA,
        ],
        compiler_params=pltpu.CompilerParams(use_tc_tiling_on_sc=False),
    )(_emb_body)
    out = call(flat, text_emb_weight)
    result = out[:, :EMB].reshape(BATCH, SEQ, EMB)
    return jexl.with_layout_constraint(
        result, jexl.Layout(major_to_minor=(0, 1, 2))
    )


@jax.jit
def kernel(tokens, text_emb_weight):
    return _impl(tokens, text_emb_weight)

# --- scband reference (transcript-rebuilt; emitter-appended) ---
"""Pipeline reference for scband-token-embedding-41996190220430 (READ-ONLY COPY).

The authoritative reference and input builder live on the scoring server;
editing this copy changes nothing except your own understanding.
"""

import jax, jax.numpy as jnp
import numpy as np

LEN_TOKENIZER = 1000000
VOCAB_SIZE = LEN_TOKENIZER + 1  # +1 shift for the unknown (-1) token
EMB_DIM = 32
BATCH = 4096
SEQ = 200


def setup_inputs(seed: int = 0) -> dict:
    key = jax.random.key(seed)
    k1, k2 = jax.random.split(key)
    tokens = jax.random.randint(k1, (BATCH, SEQ), 0, LEN_TOKENIZER, dtype=jnp.int32)
    text_emb_weight = jax.random.normal(k2, (VOCAB_SIZE, EMB_DIM), dtype=jnp.float32)
    return {"tokens": tokens, "text_emb_weight": text_emb_weight}


def reference(tokens, text_emb_weight):
    # shifted_tokens = (tokens + 1).clamp(0, self.vocab_size)
    shifted_tokens = jnp.clip(tokens + 1, 0, VOCAB_SIZE)
    # nn.Embedding lookup -> row gather
    text_emb = jnp.take(text_emb_weight, shifted_tokens, axis=0)
    return text_emb

if __name__ == "__main__":
    import jax
    _d = setup_inputs()
    print(jax.jit(kernel)(*tuple(_d.values())))

</pallas_src>

<mosaic_0001>
#map = affine_map<(d0, d1) -> (0)>
#map1 = affine_map<(d0, d1) -> (0, 0)>
module attributes {stable_mosaic.version = 14 : i64} {
  func.func @_emb_body(%arg0: i32, %arg1: i32, %arg2: memref<819200xi32, #tpu.memory_space<hbm>>, %arg3: memref<1000001x32xf32, #tpu.memory_space<hbm>>, %arg4: memref<819200x128xf32, #tpu.memory_space<hbm>>, %arg5: memref<1280xi32, #tpu.memory_space<vmem>>, %arg6: memref<1280xi32, #tpu.memory_space<vmem>>, %arg7: memref<1280x32xf32, #tpu.memory_space<vmem>>, %arg8: memref<1280x32xf32, #tpu.memory_space<vmem>>, %arg9: memref<!tpu.dma_semaphore, #tpu.memory_space<semaphore_mem>>, %arg10: memref<!tpu.dma_semaphore, #tpu.memory_space<semaphore_mem>>, %arg11: memref<!tpu.dma_semaphore, #tpu.memory_space<semaphore_mem>>, %arg12: memref<!tpu.dma_semaphore, #tpu.memory_space<semaphore_mem>>) attributes {dimension_semantics = [#tpu.dimension_semantics<core_parallel>, #tpu.dimension_semantics<subcore_parallel>], iteration_bounds = array<i64: 2, 16>, scalar_prefetch = 0 : i64, scratch_operands = 8 : i64, tpu.core_type = #tpu.core_type<sc_vector_subcore>, window_params = [{transform_indices = #map}, {transform_indices = #map1}, {transform_indices = #map1}]} {
    %mul3A = arith.constant 2 : i32
    %mul3A_0 = arith.muli %arg1, %mul3A : i32
    %add3A = arith.addi %mul3A_0, %arg0 : i32
    %mul3A_1 = arith.constant 25600 : i32
    %mul3A_2 = arith.muli %add3A, %mul3A_1 : i32
    %add3A_3 = arith.constant 0 : i32
    %add3A_4 = arith.addi %mul3A_2, %add3A_3 : i32
    "tpu.region"() ({
      %run_scoped3A = tpu.sem_alloc : memref<!tpu.dma_semaphore, #tpu.memory_space<semaphore_mem>>
      %dma_start3A_480 = tpu.memref_slice %arg2[%add3A_4] : memref<819200xi32, #tpu.memory_space<hbm>> -> memref<1280xi32, #tpu.memory_space<hbm>>
      %dma_start3A_481 = tpu.memref_slice %arg2[%add3A_4] : memref<819200xi32, #tpu.memory_space<hbm>> -> memref<1280xi32, #tpu.memory_space<hbm>>
      tpu.enqueue_dma source(%dma_start3A_481 : memref<1280xi32, #tpu.memory_space<hbm>>) target(%arg5 : memref<1280xi32, #tpu.memory_space<vmem>>) target_semaphore(%run_scoped3A : memref<!tpu.dma_semaphore, #tpu.memory_space<semaphore_mem>>)
      %dma_wait3A_482 = tpu.memref_slice %arg2[%add3A_4] : memref<819200xi32, #tpu.memory_space<hbm>> -> memref<1280xi32, #tpu.memory_space<hbm>>
      %dma_wait3A_483 = tpu.memref_slice %arg2[%add3A_4] : memref<819200xi32, #tpu.memory_space<hbm>> -> memref<1280xi32, #tpu.memory_space<hbm>>
      tpu.wait_dma2 semaphore(%run_scoped3A : memref<!tpu.dma_semaphore, #tpu.memory_space<semaphore_mem>>) src(%dma_wait3A_483 : memref<1280xi32, #tpu.memory_space<hbm>>) dst(%arg5 : memref<1280xi32, #tpu.memory_space<vmem>>)
      tpu.yield
    }) : () -> ()
    %scan3A = arith.constant 0 : i32
    %scan3A_5 = arith.constant 0 : i32
    %scan3A_6 = arith.constant 80 : i32
    %scan3A_7 = arith.addi %scan3A_5, %scan3A_6 : i32
    %scan3A_8 = arith.constant 1 : i32
    scf.for %scan3A_480 = %scan3A_5 to %scan3A_7 step %scan3A_8  : i32 {
      %mul3A_481 = arith.constant 16 : i32
      %mul3A_482 = arith.muli %scan3A_480, %mul3A_481 : i32
      %get3A = arith.index_cast %mul3A_482 : i32 to index
      %get3A_483 = tpu.vector_load %arg5[%get3A] {strides = array<i32>} : memref<1280xi32, #tpu.memory_space<vmem>>, vector<16xi32>,
      %get3A_484 = vector.shape_cast %get3A_483 : vector<16xi32> to vector<16xi32>
      %add3A_485 = arith.constant 1 : i32
      %add3A_486 = vector.broadcast %add3A_485 : i32 to vector<16xi32>
      %add3A_487 = arith.addi %get3A_484, %add3A_486 : vector<16xi32>
      %max3A = arith.constant 0 : i32
      %max3A_488 = vector.broadcast %max3A : i32 to vector<16xi32>
      %max3A_489 = arith.maxsi %add3A_487, %max3A_488 : vector<16xi32>
      %swap3A = arith.index_cast %mul3A_482 : i32 to index
      %swap3A_490 = tpu.vector_load %arg5[%swap3A] {strides = array<i32>} : memref<1280xi32, #tpu.memory_space<vmem>>, vector<16xi32>,
      %swap3A_491 = vector.shape_cast %swap3A_490 : vector<16xi32> to vector<16xi32>
      %swap3A_492 = vector.shape_cast %max3A_489 : vector<16xi32> to vector<16xi32>
      tpu.vector_store %arg5[%swap3A], %swap3A_492 {strides = array<i32>} : memref<1280xi32, #tpu.memory_space<vmem>>, vector<16xi32>,
    }
    %scan3A_9 = arith.constant 80 : i32
    %dma_start3A = arith.constant 0 : i32
    %dma_start3A_10 = arith.constant 0 : i32
    %dma_start3A_11 = tpu.memref_slice %arg3[%dma_start3A, %dma_start3A_10] : memref<1000001x32xf32, #tpu.memory_space<hbm>> -> memref<1000001x32xf32, #tpu.memory_space<hbm>>
    tpu.enqueue_indirect_dma source(%dma_start3A_11 : memref<1000001x32xf32, #tpu.memory_space<hbm>>) target(%arg7 : memref<1280x32xf32, #tpu.memory_space<vmem>>) offsets(%arg5 : memref<1280xi32, #tpu.memory_space<vmem>>) semaphore(%arg9 : memref<!tpu.dma_semaphore, #tpu.memory_space<semaphore_mem>>)
    %add3A_12 = arith.constant 1280 : i32
    %add3A_13 = arith.addi %mul3A_2, %add3A_12 : i32
    "tpu.region"() ({
      %run_scoped3A = tpu.sem_alloc : memref<!tpu.dma_semaphore, #tpu.memory_space<semaphore_mem>>
      %dma_start3A_480 = tpu.memref_slice %arg2[%add3A_13] : memref<819200xi32, #tpu.memory_space<hbm>> -> memref<1280xi32, #tpu.memory_space<hbm>>
      %dma_start3A_481 = tpu.memref_slice %arg2[%add3A_13] : memref<819200xi32, #tpu.memory_space<hbm>> -> memref<1280xi32, #tpu.memory_space<hbm>>
      tpu.enqueue_dma source(%dma_start3A_481 : memref<1280xi32, #tpu.memory_space<hbm>>) target(%arg6 : memref<1280xi32, #tpu.memory_space<vmem>>) target_semaphore(%run_scoped3A : memref<!tpu.dma_semaphore, #tpu.memory_space<semaphore_mem>>)
      %dma_wait3A_482 = tpu.memref_slice %arg2[%add3A_13] : memref<819200xi32, #tpu.memory_space<hbm>> -> memref<1280xi32, #tpu.memory_space<hbm>>
      %dma_wait3A_483 = tpu.memref_slice %arg2[%add3A_13] : memref<819200xi32, #tpu.memory_space<hbm>> -> memref<1280xi32, #tpu.memory_space<hbm>>
      tpu.wait_dma2 semaphore(%run_scoped3A : memref<!tpu.dma_semaphore, #tpu.memory_space<semaphore_mem>>) src(%dma_wait3A_483 : memref<1280xi32, #tpu.memory_space<hbm>>) dst(%arg6 : memref<1280xi32, #tpu.memory_space<vmem>>)
      tpu.yield
    }) : () -> ()
    %scan3A_14 = arith.constant 0 : i32
    %scan3A_15 = arith.constant 0 : i32
    %scan3A_16 = arith.constant 80 : i32
    %scan3A_17 = arith.addi %scan3A_15, %scan3A_16 : i32
    %scan3A_18 = arith.constant 1 : i32
    scf.for %scan3A_480 = %scan3A_15 to %scan3A_17 step %scan3A_18  : i32 {
      %mul3A_481 = arith.constant 16 : i32
      %mul3A_482 = arith.muli %scan3A_480, %mul3A_481 : i32
      %get3A = arith.index_cast %mul3A_482 : i32 to index
      %get3A_483 = tpu.vector_load %arg6[%get3A] {strides = array<i32>} : memref<1280xi32, #tpu.memory_space<vmem>>, vector<16xi32>,
      %get3A_484 = vector.shape_cast %get3A_483 : vector<16xi32> to vector<16xi32>
      %add3A_485 = arith.constant 1 : i32
      %add3A_486 = vector.broadcast %add3A_485 : i32 to vector<16xi32>
      %add3A_487 = arith.addi %get3A_484, %add3A_486 : vector<16xi32>
      %max3A = arith.constant 0 : i32
      %max3A_488 = vector.broadcast %max3A : i32 to vector<16xi32>
      %max3A_489 = arith.maxsi %add3A_487, %max3A_488 : vector<16xi32>
      %swap3A = arith.index_cast %mul3A_482 : i32 to index
      %swap3A_490 = tpu.vector_load %arg6[%swap3A] {strides = array<i32>} : memref<1280xi32, #tpu.memory_space<vmem>>, vector<16xi32>,
      %swap3A_491 = vector.shape_cast %swap3A_490 : vector<16xi32> to vector<16xi32>
      %swap3A_492 = vector.shape_cast %max3A_489 : vector<16xi32> to vector<16xi32>
      tpu.vector_store %arg6[%swap3A], %swap3A_492 {strides = array<i32>} : memref<1280xi32, #tpu.memory_space<vmem>>, vector<16xi32>,
    }
    %scan3A_19 = arith.constant 80 : i32
    %dma_start3A_20 = arith.constant 0 : i32
    %dma_start3A_21 = arith.constant 0 : i32
    %dma_start3A_22 = tpu.memref_slice %arg3[%dma_start3A_20, %dma_start3A_21] : memref<1000001x32xf32, #tpu.memory_space<hbm>> -> memref<1000001x32xf32, #tpu.memory_space<hbm>>
    tpu.enqueue_indirect_dma source(%dma_start3A_22 : memref<1000001x32xf32, #tpu.memory_space<hbm>>) target(%arg8 : memref<1280x32xf32, #tpu.memory_space<vmem>>) offsets(%arg6 : memref<1280xi32, #tpu.memory_space<vmem>>) semaphore(%arg10 : memref<!tpu.dma_semaphore, #tpu.memory_space<semaphore_mem>>)
    %dma_wait3A = arith.constant 0 : i32
    %dma_wait3A_23 = arith.constant 0 : i32
    %dma_wait3A_24 = tpu.memref_slice %arg3[%dma_wait3A, %dma_wait3A_23] : memref<1000001x32xf32, #tpu.memory_space<hbm>> -> memref<1000001x32xf32, #tpu.memory_space<hbm>>
    tpu.wait_indirect_dma semaphore(%arg9 : memref<!tpu.dma_semaphore, #tpu.memory_space<semaphore_mem>>) src(%dma_wait3A_24 : memref<1000001x32xf32, #tpu.memory_space<hbm>>) dst(%arg7 : memref<1280x32xf32, #tpu.memory_space<vmem>>)
    %add3A_25 = arith.constant 0 : i32
    %add3A_26 = arith.addi %mul3A_2, %add3A_25 : i32
    %dma_start3A_27 = arith.constant 0 : i32
    %dma_start3A_28 = tpu.memref_slice %arg4[%add3A_26, %dma_start3A_27] : memref<819200x128xf32, #tpu.memory_space<hbm>> -> memref<1280x32xf32, #tpu.memory_space<hbm>>
    %dma_start3A_29 = arith.constant 0 : i32
    %dma_start3A_30 = tpu.memref_slice %arg4[%add3A_26, %dma_start3A_29] : memref<819200x128xf32, #tpu.memory_space<hbm>> -> memref<1280x32xf32, #tpu.memory_space<hbm>>
    tpu.enqueue_dma source(%arg7 : memref<1280x32xf32, #tpu.memory_space<vmem>>) target(%dma_start3A_30 : memref<1280x32xf32, #tpu.memory_space<hbm>>) target_semaphore(%arg11 : memref<!tpu.dma_semaphore, #tpu.memory_space<semaphore_mem>>)
    %dma_wait3A_31 = arith.constant 0 : i32
    %dma_wait3A_32 = tpu.memref_slice %arg4[%add3A_26, %dma_wait3A_31] : memref<819200x128xf32, #tpu.memory_space<hbm>> -> memref<1280x32xf32, #tpu.memory_space<hbm>>
    %dma_wait3A_33 = arith.constant 0 : i32
    %dma_wait3A_34 = tpu.memref_slice %arg4[%add3A_26, %dma_wait3A_33] : memref<819200x128xf32, #tpu.memory_space<hbm>> -> memref<1280x32xf32, #tpu.memory_space<hbm>>
    tpu.wait_dma2 semaphore(%arg11 : memref<!tpu.dma_semaphore, #tpu.memory_space<semaphore_mem>>) src(%arg7 : memref<1280x32xf32, #tpu.memory_space<vmem>>) dst(%dma_wait3A_34 : memref<1280x32xf32, #tpu.memory_space<hbm>>)
    %add3A_35 = arith.constant 2560 : i32
    %add3A_36 = arith.addi %mul3A_2, %add3A_35 : i32
    "tpu.region"() ({
      %run_scoped3A = tpu.sem_alloc : memref<!tpu.dma_semaphore, #tpu.memory_space<semaphore_mem>>
      %dma_start3A_480 = tpu.memref_slice %arg2[%add3A_36] : memref<819200xi32, #tpu.memory_space<hbm>> -> memref<1280xi32, #tpu.memory_space<hbm>>
      %dma_start3A_481 = tpu.memref_slice %arg2[%add3A_36] : memref<819200xi32, #tpu.memory_space<hbm>> -> memref<1280xi32, #tpu.memory_space<hbm>>
      tpu.enqueue_dma source(%dma_start3A_481 : memref<1280xi32, #tpu.memory_space<hbm>>) target(%arg5 : memref<1280xi32, #tpu.memory_space<vmem>>) target_semaphore(%run_scoped3A : memref<!tpu.dma_semaphore, #tpu.memory_space<semaphore_mem>>)
      %dma_wait3A_482 = tpu.memref_slice %arg2[%add3A_36] : memref<819200xi32, #tpu.memory_space<hbm>> -> memref<1280xi32, #tpu.memory_space<hbm>>
      %dma_wait3A_483 = tpu.memref_slice %arg2[%add3A_36] : memref<819200xi32, #tpu.memory_space<hbm>> -> memref<1280xi32, #tpu.memory_space<hbm>>
      tpu.wait_dma2 semaphore(%run_scoped3A : memref<!tpu.dma_semaphore, #tpu.memory_space<semaphore_mem>>) src(%dma_wait3A_483 : memref<1280xi32, #tpu.memory_space<hbm>>) dst(%arg5 : memref<1280xi32, #tpu.memory_space<vmem>>)
      tpu.yield
    }) : () -> ()
    %scan3A_37 = arith.constant 0 : i32
    %scan3A_38 = arith.constant 0 : i32
    %scan3A_39 = arith.constant 80 : i32
    %scan3A_40 = arith.addi %scan3A_38, %scan3A_39 : i32
    %scan3A_41 = arith.constant 1 : i32
    scf.for %scan3A_480 = %scan3A_38 to %scan3A_40 step %scan3A_41  : i32 {
      %mul3A_481 = arith.constant 16 : i32
      %mul3A_482 = arith.muli %scan3A_480, %mul3A_481 : i32
      %get3A = arith.index_cast %mul3A_482 : i32 to index
      %get3A_483 = tpu.vector_load %arg5[%get3A] {strides = array<i32>} : memref<1280xi32, #tpu.memory_space<vmem>>, vector<16xi32>,
      %get3A_484 = vector.shape_cast %get3A_483 : vector<16xi32> to vector<16xi32>
      %add3A_485 = arith.constant 1 : i32
      %add3A_486 = vector.broadcast %add3A_485 : i32 to vector<16xi32>
      %add3A_487 = arith.addi %get3A_484, %add3A_486 : vector<16xi32>
      %max3A = arith.constant 0 : i32
      %max3A_488 = vector.broadcast %max3A : i32 to vector<16xi32>
      %max3A_489 = arith.maxsi %add3A_487, %max3A_488 : vector<16xi32>
      %swap3A = arith.index_cast %mul3A_482 : i32 to index
      %swap3A_490 = tpu.vector_load %arg5[%swap3A] {strides = array<i32>} : memref<1280xi32, #tpu.memory_space<vmem>>, vector<16xi32>,
      %swap3A_491 = vector.shape_cast %swap3A_490 : vector<16xi32> to vector<16xi32>
      %swap3A_492 = vector.shape_cast %max3A_489 : vector<16xi32> to vector<16xi32>
      tpu.vector_store %arg5[%swap3A], %swap3A_492 {strides = array<i32>} : memref<1280xi32, #tpu.memory_space<vmem>>, vector<16xi32>,
    }
    %scan3A_42 = arith.constant 80 : i32
    %dma_start3A_43 = arith.constant 0 : i32
    %dma_start3A_44 = arith.constant 0 : i32
    %dma_start3A_45 = tpu.memref_slice %arg3[%dma_start3A_43, %dma_start3A_44] : memref<1000001x32xf32, #tpu.memory_space<hbm>> -> memref<1000001x32xf32, #tpu.memory_space<hbm>>
    tpu.enqueue_indirect_dma source(%dma_start3A_45 : memref<1000001x32xf32, #tpu.memory_space<hbm>>) target(%arg7 : memref<1280x32xf32, #tpu.memory_space<vmem>>) offsets(%arg5 : memref<1280xi32, #tpu.memory_space<vmem>>) semaphore(%arg9 : memref<!tpu.dma_semaphore, #tpu.memory_space<semaphore_mem>>)
    %dma_wait3A_46 = arith.constant 0 : i32
    %dma_wait3A_47 = arith.constant 0 : i32
    %dma_wait3A_48 = tpu.memref_slice %arg3[%dma_wait3A_46, %dma_wait3A_47] : memref<1000001x32xf32, #tpu.memory_space<hbm>> -> memref<1000001x32xf32, #tpu.memory_space<hbm>>
    tpu.wait_indirect_dma semaphore(%arg10 : memref<!tpu.dma_semaphore, #tpu.memory_space<semaphore_mem>>) src(%dma_wait3A_48 : memref<1000001x32xf32, #tpu.memory_space<hbm>>) dst(%arg8 : memref<1280x32xf32, #tpu.memory_space<vmem>>)
    %add3A_49 = arith.constant 1280 : i32
    %add3A_50 = arith.addi %mul3A_2, %add3A_49 : i32
    %dma_start3A_51 = arith.constant 0 : i32
    %dma_start3A_52 = tpu.memref_slice %arg4[%add3A_50, %dma_start3A_51] : memref<819200x128xf32, #tpu.memory_space<hbm>> -> memref<1280x32xf32, #tpu.memory_space<hbm>>
    %dma_start3A_53 = arith.constant 0 : i32
    %dma_start3A_54 = tpu.memref_slice %arg4[%add3A_50, %dma_start3A_53] : memref<819200x128xf32, #tpu.memory_space<hbm>> -> memref<1280x32xf32, #tpu.memory_space<hbm>>
    tpu.enqueue_dma source(%arg8 : memref<1280x32xf32, #tpu.memory_space<vmem>>) target(%dma_start3A_54 : memref<1280x32xf32, #tpu.memory_space<hbm>>) target_semaphore(%arg12 : memref<!tpu.dma_semaphore, #tpu.memory_space<semaphore_mem>>)
    %dma_wait3A_55 = arith.constant 0 : i32
    %dma_wait3A_56 = tpu.memref_slice %arg4[%add3A_50, %dma_wait3A_55] : memref<819200x128xf32, #tpu.memory_space<hbm>> -> memref<1280x32xf32, #tpu.memory_space<hbm>>
    %dma_wait3A_57 = arith.constant 0 : i32
    %dma_wait3A_58 = tpu.memref_slice %arg4[%add3A_50, %dma_wait3A_57] : memref<819200x128xf32, #tpu.memory_space<hbm>> -> memref<1280x32xf32, #tpu.memory_space<hbm>>
    tpu.wait_dma2 semaphore(%arg12 : memref<!tpu.dma_semaphore, #tpu.memory_space<semaphore_mem>>) src(%arg8 : memref<1280x32xf32, #tpu.memory_space<vmem>>) dst(%dma_wait3A_58 : memref<1280x32xf32, #tpu.memory_space<hbm>>)
    %add3A_59 = arith.constant 3840 : i32
    %add3A_60 = arith.addi %mul3A_2, %add3A_59 : i32
    "tpu.region"() ({
      %run_scoped3A = tpu.sem_alloc : memref<!tpu.dma_semaphore, #tpu.memory_space<semaphore_mem>>
      %dma_start3A_480 = tpu.memref_slice %arg2[%add3A_60] : memref<819200xi32, #tpu.memory_space<hbm>> -> memref<1280xi32, #tpu.memory_space<hbm>>
      %dma_start3A_481 = tpu.memref_slice %arg2[%add3A_60] : memref<819200xi32, #tpu.memory_space<hbm>> -> memref<1280xi32, #tpu.memory_space<hbm>>
      tpu.enqueue_dma source(%dma_start3A_481 : memref<1280xi32, #tpu.memory_space<hbm>>) target(%arg6 : memref<1280xi32, #tpu.memory_space<vmem>>) target_semaphore(%run_scoped3A : memref<!tpu.dma_semaphore, #tpu.memory_space<semaphore_mem>>)
      %dma_wait3A_482 = tpu.memref_slice %arg2[%add3A_60] : memref<819200xi32, #tpu.memory_space<hbm>> -> memref<1280xi32, #tpu.memory_space<hbm>>
      %dma_wait3A_483 = tpu.memref_slice %arg2[%add3A_60] : memref<819200xi32, #tpu.memory_space<hbm>> -> memref<1280xi32, #tpu.memory_space<hbm>>
      tpu.wait_dma2 semaphore(%run_scoped3A : memref<!tpu.dma_semaphore, #tpu.memory_space<semaphore_mem>>) src(%dma_wait3A_483 : memref<1280xi32, #tpu.memory_space<hbm>>) dst(%arg6 : memref<1280xi32, #tpu.memory_space<vmem>>)
      tpu.yield
    }) : () -> ()
    %scan3A_61 = arith.constant 0 : i32
    %scan3A_62 = arith.constant 0 : i32
    %scan3A_63 = arith.constant 80 : i32
    %scan3A_64 = arith.addi %scan3A_62, %scan3A_63 : i32
    %scan3A_65 = arith.constant 1 : i32
    scf.for %scan3A_480 = %scan3A_62 to %scan3A_64 step %scan3A_65  : i32 {
      %mul3A_481 = arith.constant 16 : i32
      %mul3A_482 = arith.muli %scan3A_480, %mul3A_481 : i32
      %get3A = arith.index_cast %mul3A_482 : i32 to index
      %get3A_483 = tpu.vector_load %arg6[%get3A] {strides = array<i32>} : memref<1280xi32, #tpu.memory_space<vmem>>, vector<16xi32>,
      %get3A_484 = vector.shape_cast %get3A_483 : vector<16xi32> to vector<16xi32>
      %add3A_485 = arith.constant 1 : i32
      %add3A_486 = vector.broadcast %add3A_485 : i32 to vector<16xi32>
      %add3A_487 = arith.addi %get3A_484, %add3A_486 : vector<16xi32>
      %max3A = arith.constant 0 : i32
      %max3A_488 = vector.broadcast %max3A : i32 to vector<16xi32>
      %max3A_489 = arith.maxsi %add3A_487, %max3A_488 : vector<16xi32>
      %swap3A = arith.index_cast %mul3A_482 : i32 to index
      %swap3A_490 = tpu.vector_load %arg6[%swap3A] {strides = array<i32>} : memref<1280xi32, #tpu.memory_space<vmem>>, vector<16xi32>,
      %swap3A_491 = vector.shape_cast %swap3A_490 : vector<16xi32> to vector<16xi32>
      %swap3A_492 = vector.shape_cast %max3A_489 : vector<16xi32> to vector<16xi32>
      tpu.vector_store %arg6[%swap3A], %swap3A_492 {strides = array<i32>} : memref<1280xi32, #tpu.memory_space<vmem>>, vector<16xi32>,
    }
    %scan3A_66 = arith.constant 80 : i32
    %dma_start3A_67 = arith.constant 0 : i32
    %dma_start3A_68 = arith.constant 0 : i32
    %dma_start3A_69 = tpu.memref_slice %arg3[%dma_start3A_67, %dma_start3A_68] : memref<1000001x32xf32, #tpu.memory_space<hbm>> -> memref<1000001x32xf32, #tpu.memory_space<hbm>>
    tpu.enqueue_indirect_dma source(%dma_start3A_69 : memref<1000001x32xf32, #tpu.memory_space<hbm>>) target(%arg8 : memref<1280x32xf32, #tpu.memory_space<vmem>>) offsets(%arg6 : memref<1280xi32, #tpu.memory_space<vmem>>) semaphore(%arg10 : memref<!tpu.dma_semaphore, #tpu.memory_space<semaphore_mem>>)
    %dma_wait3A_70 = arith.constant 0 : i32
    %dma_wait3A_71 = arith.constant 0 : i32
    %dma_wait3A_72 = tpu.memref_slice %arg3[%dma_wait3A_70, %dma_wait3A_71] : memref<1000001x32xf32, #tpu.memory_space<hbm>> -> memref<1000001x32xf32, #tpu.memory_space<hbm>>
    tpu.wait_indirect_dma semaphore(%arg9 : memref<!tpu.dma_semaphore, #tpu.memory_space<semaphore_mem>>) src(%dma_wait3A_72 : memref<1000001x32xf32, #tpu.memory_space<hbm>>) dst(%arg7 : memref<1280x32xf32, #tpu.memory_space<vmem>>)
    %add3A_73 = arith.constant 2560 : i32
    %add3A_74 = arith.addi %mul3A_2, %add3A_73 : i32
    %dma_start3A_75 = arith.constant 0 : i32
    %dma_start3A_76 = tpu.memref_slice %arg4[%add3A_74, %dma_start3A_75] : memref<819200x128xf32, #tpu.memory_space<hbm>> -> memref<1280x32xf32, #tpu.memory_space<hbm>>
    %dma_start3A_77 = arith.constant 0 : i32
    %dma_start3A_78 = tpu.memref_slice %arg4[%add3A_74, %dma_start3A_77] : memref<819200x128xf32, #tpu.memory_space<hbm>> -> memref<1280x32xf32, #tpu.memory_space<hbm>>
    tpu.enqueue_dma source(%arg7 : memref<1280x32xf32, #tpu.memory_space<vmem>>) target(%dma_start3A_78 : memref<1280x32xf32, #tpu.memory_space<hbm>>) target_semaphore(%arg11 : memref<!tpu.dma_semaphore, #tpu.memory_space<semaphore_mem>>)
    %dma_wait3A_79 = arith.constant 0 : i32
    %dma_wait3A_80 = tpu.memref_slice %arg4[%add3A_74, %dma_wait3A_79] : memref<819200x128xf32, #tpu.memory_space<hbm>> -> memref<1280x32xf32, #tpu.memory_space<hbm>>
    %dma_wait3A_81 = arith.constant 0 : i32
    %dma_wait3A_82 = tpu.memref_slice %arg4[%add3A_74, %dma_wait3A_81] : memref<819200x128xf32, #tpu.memory_space<hbm>> -> memref<1280x32xf32, #tpu.memory_space<hbm>>
    tpu.wait_dma2 semaphore(%arg11 : memref<!tpu.dma_semaphore, #tpu.memory_space<semaphore_mem>>) src(%arg7 : memref<1280x32xf32, #tpu.memory_space<vmem>>) dst(%dma_wait3A_82 : memref<1280x32xf32, #tpu.memory_space<hbm>>)
    %add3A_83 = arith.constant 5120 : i32
    %add3A_84 = arith.addi %mul3A_2, %add3A_83 : i32
    "tpu.region"() ({
      %run_scoped3A = tpu.sem_alloc : memref<!tpu.dma_semaphore, #tpu.memory_space<semaphore_mem>>
      %dma_start3A_480 = tpu.memref_slice %arg2[%add3A_84] : memref<819200xi32, #tpu.memory_space<hbm>> -> memref<1280xi32, #tpu.memory_space<hbm>>
      %dma_start3A_481 = tpu.memref_slice %arg2[%add3A_84] : memref<819200xi32, #tpu.memory_space<hbm>> -> memref<1280xi32, #tpu.memory_space<hbm>>
      tpu.enqueue_dma source(%dma_start3A_481 : memref<1280xi32, #tpu.memory_space<hbm>>) target(%arg5 : memref<1280xi32, #tpu.memory_space<vmem>>) target_semaphore(%run_scoped3A : memref<!tpu.dma_semaphore, #tpu.memory_space<semaphore_mem>>)
      %dma_wait3A_482 = tpu.memref_slice %arg2[%add3A_84] : memref<819200xi32, #tpu.memory_space<hbm>> -> memref<1280xi32, #tpu.memory_space<hbm>>
      %dma_wait3A_483 = tpu.memref_slice %arg2[%add3A_84] : memref<819200xi32, #tpu.memory_space<hbm>> -> memref<1280xi32, #tpu.memory_space<hbm>>
      tpu.wait_dma2 semaphore(%run_scoped3A : memref<!tpu.dma_semaphore, #tpu.memory_space<semaphore_mem>>) src(%dma_wait3A_483 : memref<1280xi32, #tpu.memory_space<hbm>>) dst(%arg5 : memref<1280xi32, #tpu.memory_space<vmem>>)
      tpu.yield
    }) : () -> ()
    %scan3A_85 = arith.constant 0 : i32
    %scan3A_86 = arith.constant 0 : i32
    %scan3A_87 = arith.constant 80 : i32
    %scan3A_88 = arith.addi %scan3A_86, %scan3A_87 : i32
    %scan3A_89 = arith.constant 1 : i32
    scf.for %scan3A_480 = %scan3A_86 to %scan3A_88 step %scan3A_89  : i32 {
      %mul3A_481 = arith.constant 16 : i32
      %mul3A_482 = arith.muli %scan3A_480, %mul3A_481 : i32
      %get3A = arith.index_cast %mul3A_482 : i32 to index
      %get3A_483 = tpu.vector_load %arg5[%get3A] {strides = array<i32>} : memref<1280xi32, #tpu.memory_space<vmem>>, vector<16xi32>,
      %get3A_484 = vector.shape_cast %get3A_483 : vector<16xi32> to vector<16xi32>
      %add3A_485 = arith.constant 1 : i32
      %add3A_486 = vector.broadcast %add3A_485 : i32 to vector<16xi32>
      %add3A_487 = arith.addi %get3A_484, %add3A_486 : vector<16xi32>
      %max3A = arith.constant 0 : i32
      %max3A_488 = vector.broadcast %max3A : i32 to vector<16xi32>
      %max3A_489 = arith.maxsi %add3A_487, %max3A_488 : vector<16xi32>
      %swap3A = arith.index_cast %mul3A_482 : i32 to index
      %swap3A_490 = tpu.vector_load %arg5[%swap3A] {strides = array<i32>} : memref<1280xi32, #tpu.memory_space<vmem>>, vector<16xi32>,
      %swap3A_491 = vector.shape_cast %swap3A_490 : vector<16xi32> to vector<16xi32>
      %swap3A_492 = vector.shape_cast %max3A_489 : vector<16xi32> to vector<16xi32>
      tpu.vector_store %arg5[%swap3A], %swap3A_492 {strides = array<i32>} : memref<1280xi32, #tpu.memory_space<vmem>>, vector<16xi32>,
    }
    %scan3A_90 = arith.constant 80 : i32
    %dma_start3A_91 = arith.constant 0 : i32
    %dma_start3A_92 = arith.constant 0 : i32
    %dma_start3A_93 = tpu.memref_slice %arg3[%dma_start3A_91, %dma_start3A_92] : memref<1000001x32xf32, #tpu.memory_space<hbm>> -> memref<1000001x32xf32, #tpu.memory_space<hbm>>
    tpu.enqueue_indirect_dma source(%dma_start3A_93 : memref<1000001x32xf32, #tpu.memory_space<hbm>>) target(%arg7 : memref<1280x32xf32, #tpu.memory_space<vmem>>) offsets(%arg5 : memref<1280xi32, #tpu.memory_space<vmem>>) semaphore(%arg9 : memref<!tpu.dma_semaphore, #tpu.memory_space<semaphore_mem>>)
    %dma_wait3A_94 = arith.constant 0 : i32
    %dma_wait3A_95 = arith.constant 0 : i32
    %dma_wait3A_96 = tpu.memref_slice %arg3[%dma_wait3A_94, %dma_wait3A_95] : memref<1000001x32xf32, #tpu.memory_space<hbm>> -> memref<1000001x32xf32, #tpu.memory_space<hbm>>
    tpu.wait_indirect_dma semaphore(%arg10 : memref<!tpu.dma_semaphore, #tpu.memory_space<semaphore_mem>>) src(%dma_wait3A_96 : memref<1000001x32xf32, #tpu.memory_space<hbm>>) dst(%arg8 : memref<1280x32xf32, #tpu.memory_space<vmem>>)
    %add3A_97 = arith.constant 3840 : i32
    %add3A_98 = arith.addi %mul3A_2, %add3A_97 : i32
    %dma_start3A_99 = arith.constant 0 : i32
    %dma_start3A_100 = tpu.memref_slice %arg4[%add3A_98, %dma_start3A_99] : memref<819200x128xf32, #tpu.memory_space<hbm>> -> memref<1280x32xf32, #tpu.memory_space<hbm>>
    %dma_start3A_101 = arith.constant 0 : i32
    %dma_start3A_102 = tpu.memref_slice %arg4[%add3A_98, %dma_start3A_101] : memref<819200x128xf32, #tpu.memory_space<hbm>> -> memref<1280x32xf32, #tpu.memory_space<hbm>>
    tpu.enqueue_dma source(%arg8 : memref<1280x32xf32, #tpu.memory_space<vmem>>) target(%dma_start3A_102 : memref<1280x32xf32, #tpu.memory_space<hbm>>) target_semaphore(%arg12 : memref<!tpu.dma_semaphore, #tpu.memory_space<semaphore_mem>>)
    %dma_wait3A_103 = arith.constant 0 : i32
    %dma_wait3A_104 = tpu.memref_slice %arg4[%add3A_98, %dma_wait3A_103] : memref<819200x128xf32, #tpu.memory_space<hbm>> -> memref<1280x32xf32, #tpu.memory_space<hbm>>
    %dma_wait3A_105 = arith.constant 0 : i32
    %dma_wait3A_106 = tpu.memref_slice %arg4[%add3A_98, %dma_wait3A_105] : memref<819200x128xf32, #tpu.memory_space<hbm>> -> memref<1280x32xf32, #tpu.memory_space<hbm>>
    tpu.wait_dma2 semaphore(%arg12 : memref<!tpu.dma_semaphore, #tpu.memory_space<semaphore_mem>>) src(%arg8 : memref<1280x32xf32, #tpu.memory_space<vmem>>) dst(%dma_wait3A_106 : memref<1280x32xf32, #tpu.memory_space<hbm>>)
    %add3A_107 = arith.constant 6400 : i32
    %add3A_108 = arith.addi %mul3A_2, %add3A_107 : i32
    "tpu.region"() ({
      %run_scoped3A = tpu.sem_alloc : memref<!tpu.dma_semaphore, #tpu.memory_space<semaphore_mem>>
      %dma_start3A_480 = tpu.memref_slice %arg2[%add3A_108] : memref<819200xi32, #tpu.memory_space<hbm>> -> memref<1280xi32, #tpu.memory_space<hbm>>
      %dma_start3A_481 = tpu.memref_slice %arg2[%add3A_108] : memref<819200xi32, #tpu.memory_space<hbm>> -> memref<1280xi32, #tpu.memory_space<hbm>>
      tpu.enqueue_dma source(%dma_start3A_481 : memref<1280xi32, #tpu.memory_space<hbm>>) target(%arg6 : memref<1280xi32, #tpu.memory_space<vmem>>) target_semaphore(%run_scoped3A : memref<!tpu.dma_semaphore, #tpu.memory_space<semaphore_mem>>)
      %dma_wait3A_482 = tpu.memref_slice %arg2[%add3A_108] : memref<819200xi32, #tpu.memory_space<hbm>> -> memref<1280xi32, #tpu.memory_space<hbm>>
      %dma_wait3A_483 = tpu.memref_slice %arg2[%add3A_108] : memref<819200xi32, #tpu.memory_space<hbm>> -> memref<1280xi32, #tpu.memory_space<hbm>>
      tpu.wait_dma2 semaphore(%run_scoped3A : memref<!tpu.dma_semaphore, #tpu.memory_space<semaphore_mem>>) src(%dma_wait3A_483 : memref<1280xi32, #tpu.memory_space<hbm>>) dst(%arg6 : memref<1280xi32, #tpu.memory_space<vmem>>)
      tpu.yield
    }) : () -> ()
    %scan3A_109 = arith.constant 0 : i32
    %scan3A_110 = arith.constant 0 : i32
    %scan3A_111 = arith.constant 80 : i32
    %scan3A_112 = arith.addi %scan3A_110, %scan3A_111 : i32
    %scan3A_113 = arith.constant 1 : i32
    scf.for %scan3A_480 = %scan3A_110 to %scan3A_112 step %scan3A_113  : i32 {
      %mul3A_481 = arith.constant 16 : i32
      %mul3A_482 = arith.muli %scan3A_480, %mul3A_481 : i32
      %get3A = arith.index_cast %mul3A_482 : i32 to index
      %get3A_483 = tpu.vector_load %arg6[%get3A] {strides = array<i32>} : memref<1280xi32, #tpu.memory_space<vmem>>, vector<16xi32>,
      %get3A_484 = vector.shape_cast %get3A_483 : vector<16xi32> to vector<16xi32>
      %add3A_485 = arith.constant 1 : i32
      %add3A_486 = vector.broadcast %add3A_485 : i32 to vector<16xi32>
      %add3A_487 = arith.addi %get3A_484, %add3A_486 : vector<16xi32>
      %max3A = arith.constant 0 : i32
      %max3A_488 = vector.broadcast %max3A : i32 to vector<16xi32>
      %max3A_489 = arith.maxsi %add3A_487, %max3A_488 : vector<16xi32>
      %swap3A = arith.index_cast %mul3A_482 : i32 to index
      %swap3A_490 = tpu.vector_load %arg6[%swap3A] {strides = array<i32>} : memref<1280xi32, #tpu.memory_space<vmem>>, vector<16xi32>,
      %swap3A_491 = vector.shape_cast %swap3A_490 : vector<16xi32> to vector<16xi32>
      %swap3A_492 = vector.shape_cast %max3A_489 : vector<16xi32> to vector<16xi32>
      tpu.vector_store %arg6[%swap3A], %swap3A_492 {strides = array<i32>} : memref<1280xi32, #tpu.memory_space<vmem>>, vector<16xi32>,
    }
    %scan3A_114 = arith.constant 80 : i32
    %dma_start3A_115 = arith.constant 0 : i32
    %dma_start3A_116 = arith.constant 0 : i32
    %dma_start3A_117 = tpu.memref_slice %arg3[%dma_start3A_115, %dma_start3A_116] : memref<1000001x32xf32, #tpu.memory_space<hbm>> -> memref<1000001x32xf32, #tpu.memory_space<hbm>>
    tpu.enqueue_indirect_dma source(%dma_start3A_117 : memref<1000001x32xf32, #tpu.memory_space<hbm>>) target(%arg8 : memref<1280x32xf32, #tpu.memory_space<vmem>>) offsets(%arg6 : memref<1280xi32, #tpu.memory_space<vmem>>) semaphore(%arg10 : memref<!tpu.dma_semaphore, #tpu.memory_space<semaphore_mem>>)
    %dma_wait3A_118 = arith.constant 0 : i32
    %dma_wait3A_119 = arith.constant 0 : i32
    %dma_wait3A_120 = tpu.memref_slice %arg3[%dma_wait3A_118, %dma_wait3A_119] : memref<1000001x32xf32, #tpu.memory_space<hbm>> -> memref<1000001x32xf32, #tpu.memory_space<hbm>>
    tpu.wait_indirect_dma semaphore(%arg9 : memref<!tpu.dma_semaphore, #tpu.memory_space<semaphore_mem>>) src(%dma_wait3A_120 : memref<1000001x32xf32, #tpu.memory_space<hbm>>) dst(%arg7 : memref<1280x32xf32, #tpu.memory_space<vmem>>)
    %add3A_121 = arith.constant 5120 : i32
    %add3A_122 = arith.addi %mul3A_2, %add3A_121 : i32
    %dma_start3A_123 = arith.constant 0 : i32
    %dma_start3A_124 = tpu.memref_slice %arg4[%add3A_122, %dma_start3A_123] : memref<819200x128xf32, #tpu.memory_space<hbm>> -> memref<1280x32xf32, #tpu.memory_space<hbm>>
    %dma_start3A_125 = arith.constant 0 : i32
    %dma_start3A_126 = tpu.memref_slice %arg4[%add3A_122, %dma_start3A_125] : memref<819200x128xf32, #tpu.memory_space<hbm>> -> memref<1280x32xf32, #tpu.memory_space<hbm>>
    tpu.enqueue_dma source(%arg7 : memref<1280x32xf32, #tpu.memory_space<vmem>>) target(%dma_start3A_126 : memref<1280x32xf32, #tpu.memory_space<hbm>>) target_semaphore(%arg11 : memref<!tpu.dma_semaphore, #tpu.memory_space<semaphore_mem>>)
    %dma_wait3A_127 = arith.constant 0 : i32
    %dma_wait3A_128 = tpu.memref_slice %arg4[%add3A_122, %dma_wait3A_127] : memref<819200x128xf32, #tpu.memory_space<hbm>> -> memref<1280x32xf32, #tpu.memory_space<hbm>>
    %dma_wait3A_129 = arith.constant 0 : i32
    %dma_wait3A_130 = tpu.memref_slice %arg4[%add3A_122, %dma_wait3A_129] : memref<819200x128xf32, #tpu.memory_space<hbm>> -> memref<1280x32xf32, #tpu.memory_space<hbm>>
    tpu.wait_dma2 semaphore(%arg11 : memref<!tpu.dma_semaphore, #tpu.memory_space<semaphore_mem>>) src(%arg7 : memref<1280x32xf32, #tpu.memory_space<vmem>>) dst(%dma_wait3A_130 : memref<1280x32xf32, #tpu.memory_space<hbm>>)
    %add3A_131 = arith.constant 7680 : i32
    %add3A_132 = arith.addi %mul3A_2, %add3A_131 : i32
    "tpu.region"() ({
      %run_scoped3A = tpu.sem_alloc : memref<!tpu.dma_semaphore, #tpu.memory_space<semaphore_mem>>
      %dma_start3A_480 = tpu.memref_slice %arg2[%add3A_132] : memref<819200xi32, #tpu.memory_space<hbm>> -> memref<1280xi32, #tpu.memory_space<hbm>>
      %dma_start3A_481 = tpu.memref_slice %arg2[%add3A_132] : memref<819200xi32, #tpu.memory_space<hbm>> -> memref<1280xi32, #tpu.memory_space<hbm>>
      tpu.enqueue_dma source(%dma_start3A_481 : memref<1280xi32, #tpu.memory_space<hbm>>) target(%arg5 : memref<1280xi32, #tpu.memory_space<vmem>>) target_semaphore(%run_scoped3A : memref<!tpu.dma_semaphore, #tpu.memory_space<semaphore_mem>>)
      %dma_wait3A_482 = tpu.memref_slice %arg2[%add3A_132] : memref<819200xi32, #tpu.memory_space<hbm>> -> memref<1280xi32, #tpu.memory_space<hbm>>
      %dma_wait3A_483 = tpu.memref_slice %arg2[%add3A_132] : memref<819200xi32, #tpu.memory_space<hbm>> -> memref<1280xi32, #tpu.memory_space<hbm>>
      tpu.wait_dma2 semaphore(%run_scoped3A : memref<!tpu.dma_semaphore, #tpu.memory_space<semaphore_mem>>) src(%dma_wait3A_483 : memref<1280xi32, #tpu.memory_space<hbm>>) dst(%arg5 : memref<1280xi32, #tpu.memory_space<vmem>>)
      tpu.yield
    }) : () -> ()
    %scan3A_133 = arith.constant 0 : i32
    %scan3A_134 = arith.constant 0 : i32
    %scan3A_135 = arith.constant 80 : i32
    %scan3A_136 = arith.addi %scan3A_134, %scan3A_135 : i32
    %scan3A_137 = arith.constant 1 : i32
    scf.for %scan3A_480 = %scan3A_134 to %scan3A_136 step %scan3A_137  : i32 {
      %mul3A_481 = arith.constant 16 : i32
      %mul3A_482 = arith.muli %scan3A_480, %mul3A_481 : i32
      %get3A = arith.index_cast %mul3A_482 : i32 to index
      %get3A_483 = tpu.vector_load %arg5[%get3A] {strides = array<i32>} : memref<1280xi32, #tpu.memory_space<vmem>>, vector<16xi32>,
      %get3A_484 = vector.shape_cast %get3A_483 : vector<16xi32> to vector<16xi32>
      %add3A_485 = arith.constant 1 : i32
      %add3A_486 = vector.broadcast %add3A_485 : i32 to vector<16xi32>
      %add3A_487 = arith.addi %get3A_484, %add3A_486 : vector<16xi32>
      %max3A = arith.constant 0 : i32
      %max3A_488 = vector.broadcast %max3A : i32 to vector<16xi32>
      %max3A_489 = arith.maxsi %add3A_487, %max3A_488 : vector<16xi32>
      %swap3A = arith.index_cast %mul3A_482 : i32 to index
      %swap3A_490 = tpu.vector_load %arg5[%swap3A] {strides = array<i32>} : memref<1280xi32, #tpu.memory_space<vmem>>, vector<16xi32>,
      %swap3A_491 = vector.shape_cast %swap3A_490 : vector<16xi32> to vector<16xi32>
      %swap3A_492 = vector.shape_cast %max3A_489 : vector<16xi32> to vector<16xi32>
      tpu.vector_store %arg5[%swap3A], %swap3A_492 {strides = array<i32>} : memref<1280xi32, #tpu.memory_space<vmem>>, vector<16xi32>,
    }
    %scan3A_138 = arith.constant 80 : i32
    %dma_start3A_139 = arith.constant 0 : i32
    %dma_start3A_140 = arith.constant 0 : i32
    %dma_start3A_141 = tpu.memref_slice %arg3[%dma_start3A_139, %dma_start3A_140] : memref<1000001x32xf32, #tpu.memory_space<hbm>> -> memref<1000001x32xf32, #tpu.memory_space<hbm>>
    tpu.enqueue_indirect_dma source(%dma_start3A_141 : memref<1000001x32xf32, #tpu.memory_space<hbm>>) target(%arg7 : memref<1280x32xf32, #tpu.memory_space<vmem>>) offsets(%arg5 : memref<1280xi32, #tpu.memory_space<vmem>>) semaphore(%arg9 : memref<!tpu.dma_semaphore, #tpu.memory_space<semaphore_mem>>)
    %dma_wait3A_142 = arith.constant 0 : i32
    %dma_wait3A_143 = arith.constant 0 : i32
    %dma_wait3A_144 = tpu.memref_slice %arg3[%dma_wait3A_142, %dma_wait3A_143] : memref<1000001x32xf32, #tpu.memory_space<hbm>> -> memref<1000001x32xf32, #tpu.memory_space<hbm>>
    tpu.wait_indirect_dma semaphore(%arg10 : memref<!tpu.dma_semaphore, #tpu.memory_space<semaphore_mem>>) src(%dma_wait3A_144 : memref<1000001x32xf32, #tpu.memory_space<hbm>>) dst(%arg8 : memref<1280x32xf32, #tpu.memory_space<vmem>>)
    %add3A_145 = arith.constant 6400 : i32
    %add3A_146 = arith.addi %mul3A_2, %add3A_145 : i32
    %dma_start3A_147 = arith.constant 0 : i32
    %dma_start3A_148 = tpu.memref_slice %arg4[%add3A_146, %dma_start3A_147] : memref<819200x128xf32, #tpu.memory_space<hbm>> -> memref<1280x32xf32, #tpu.memory_space<hbm>>
    %dma_start3A_149 = arith.constant 0 : i32
    %dma_start3A_150 = tpu.memref_slice %arg4[%add3A_146, %dma_start3A_149] : memref<819200x128xf32, #tpu.memory_space<hbm>> -> memref<1280x32xf32, #tpu.memory_space<hbm>>
    tpu.enqueue_dma source(%arg8 : memref<1280x32xf32, #tpu.memory_space<vmem>>) target(%dma_start3A_150 : memref<1280x32xf32, #tpu.memory_space<hbm>>) target_semaphore(%arg12 : memref<!tpu.dma_semaphore, #tpu.memory_space<semaphore_mem>>)
    %dma_wait3A_151 = arith.constant 0 : i32
    %dma_wait3A_152 = tpu.memref_slice %arg4[%add3A_146, %dma_wait3A_151] : memref<819200x128xf32, #tpu.memory_space<hbm>> -> memref<1280x32xf32, #tpu.memory_space<hbm>>
    %dma_wait3A_153 = arith.constant 0 : i32
    %dma_wait3A_154 = tpu.memref_slice %arg4[%add3A_146, %dma_wait3A_153] : memref<819200x128xf32, #tpu.memory_space<hbm>> -> memref<1280x32xf32, #tpu.memory_space<hbm>>
    tpu.wait_dma2 semaphore(%arg12 : memref<!tpu.dma_semaphore, #tpu.memory_space<semaphore_mem>>) src(%arg8 : memref<1280x32xf32, #tpu.memory_space<vmem>>) dst(%dma_wait3A_154 : memref<1280x32xf32, #tpu.memory_space<hbm>>)
    %add3A_155 = arith.constant 8960 : i32
    %add3A_156 = arith.addi %mul3A_2, %add3A_155 : i32
    "tpu.region"() ({
      %run_scoped3A = tpu.sem_alloc : memref<!tpu.dma_semaphore, #tpu.memory_space<semaphore_mem>>
      %dma_start3A_480 = tpu.memref_slice %arg2[%add3A_156] : memref<819200xi32, #tpu.memory_space<hbm>> -> memref<1280xi32, #tpu.memory_space<hbm>>
      %dma_start3A_481 = tpu.memref_slice %arg2[%add3A_156] : memref<819200xi32, #tpu.memory_space<hbm>> -> memref<1280xi32, #tpu.memory_space<hbm>>
      tpu.enqueue_dma source(%dma_start3A_481 : memref<1280xi32, #tpu.memory_space<hbm>>) target(%arg6 : memref<1280xi32, #tpu.memory_space<vmem>>) target_semaphore(%run_scoped3A : memref<!tpu.dma_semaphore, #tpu.memory_space<semaphore_mem>>)
      %dma_wait3A_482 = tpu.memref_slice %arg2[%add3A_156] : memref<819200xi32, #tpu.memory_space<hbm>> -> memref<1280xi32, #tpu.memory_space<hbm>>
      %dma_wait3A_483 = tpu.memref_slice %arg2[%add3A_156] : memref<819200xi32, #tpu.memory_space<hbm>> -> memref<1280xi32, #tpu.memory_space<hbm>>
      tpu.wait_dma2 semaphore(%run_scoped3A : memref<!tpu.dma_semaphore, #tpu.memory_space<semaphore_mem>>) src(%dma_wait3A_483 : memref<1280xi32, #tpu.memory_space<hbm>>) dst(%arg6 : memref<1280xi32, #tpu.memory_space<vmem>>)
      tpu.yield
    }) : () -> ()
    %scan3A_157 = arith.constant 0 : i32
    %scan3A_158 = arith.constant 0 : i32
    %scan3A_159 = arith.constant 80 : i32
    %scan3A_160 = arith.addi %scan3A_158, %scan3A_159 : i32
    %scan3A_161 = arith.constant 1 : i32
    scf.for %scan3A_480 = %scan3A_158 to %scan3A_160 step %scan3A_161  : i32 {
      %mul3A_481 = arith.constant 16 : i32
      %mul3A_482 = arith.muli %scan3A_480, %mul3A_481 : i32
      %get3A = arith.index_cast %mul3A_482 : i32 to index
      %get3A_483 = tpu.vector_load %arg6[%get3A] {strides = array<i32>} : memref<1280xi32, #tpu.memory_space<vmem>>, vector<16xi32>,
      %get3A_484 = vector.shape_cast %get3A_483 : vector<16xi32> to vector<16xi32>
      %add3A_485 = arith.constant 1 : i32
      %add3A_486 = vector.broadcast %add3A_485 : i32 to vector<16xi32>
      %add3A_487 = arith.addi %get3A_484, %add3A_486 : vector<16xi32>
      %max3A = arith.constant 0 : i32
      %max3A_488 = vector.broadcast %max3A : i32 to vector<16xi32>
      %max3A_489 = arith.maxsi %add3A_487, %max3A_488 : vector<16xi32>
      %swap3A = arith.index_cast %mul3A_482 : i32 to index
      %swap3A_490 = tpu.vector_load %arg6[%swap3A] {strides = array<i32>} : memref<1280xi32, #tpu.memory_space<vmem>>, vector<16xi32>,
      %swap3A_491 = vector.shape_cast %swap3A_490 : vector<16xi32> to vector<16xi32>
      %swap3A_492 = vector.shape_cast %max3A_489 : vector<16xi32> to vector<16xi32>
      tpu.vector_store %arg6[%swap3A], %swap3A_492 {strides = array<i32>} : memref<1280xi32, #tpu.memory_space<vmem>>, vector<16xi32>,
    }
    %scan3A_162 = arith.constant 80 : i32
    %dma_start3A_163 = arith.constant 0 : i32
    %dma_start3A_164 = arith.constant 0 : i32
    %dma_start3A_165 = tpu.memref_slice %arg3[%dma_start3A_163, %dma_start3A_164] : memref<1000001x32xf32, #tpu.memory_space<hbm>> -> memref<1000001x32xf32, #tpu.memory_space<hbm>>
    tpu.enqueue_indirect_dma source(%dma_start3A_165 : memref<1000001x32xf32, #tpu.memory_space<hbm>>) target(%arg8 : memref<1280x32xf32, #tpu.memory_space<vmem>>) offsets(%arg6 : memref<1280xi32, #tpu.memory_space<vmem>>) semaphore(%arg10 : memref<!tpu.dma_semaphore, #tpu.memory_space<semaphore_mem>>)
    %dma_wait3A_166 = arith.constant 0 : i32
    %dma_wait3A_167 = arith.constant 0 : i32
    %dma_wait3A_168 = tpu.memref_slice %arg3[%dma_wait3A_166, %dma_wait3A_167] : memref<1000001x32xf32, #tpu.memory_space<hbm>> -> memref<1000001x32xf32, #tpu.memory_space<hbm>>
    tpu.wait_indirect_dma semaphore(%arg9 : memref<!tpu.dma_semaphore, #tpu.memory_space<semaphore_mem>>) src(%dma_wait3A_168 : memref<1000001x32xf32, #tpu.memory_space<hbm>>) dst(%arg7 : memref<1280x32xf32, #tpu.memory_space<vmem>>)
    %add3A_169 = arith.constant 7680 : i32
    %add3A_170 = arith.addi %mul3A_2, %add3A_169 : i32
    %dma_start3A_171 = arith.constant 0 : i32
    %dma_start3A_172 = tpu.memref_slice %arg4[%add3A_170, %dma_start3A_171] : memref<819200x128xf32, #tpu.memory_space<hbm>> -> memref<1280x32xf32, #tpu.memory_space<hbm>>
    %dma_start3A_173 = arith.constant 0 : i32
    %dma_start3A_174 = tpu.memref_slice %arg4[%add3A_170, %dma_start3A_173] : memref<819200x128xf32, #tpu.memory_space<hbm>> -> memref<1280x32xf32, #tpu.memory_space<hbm>>
    tpu.enqueue_dma source(%arg7 : memref<1280x32xf32, #tpu.memory_space<vmem>>) target(%dma_start3A_174 : memref<1280x32xf32, #tpu.memory_space<hbm>>) target_semaphore(%arg11 : memref<!tpu.dma_semaphore, #tpu.memory_space<semaphore_mem>>)
    %dma_wait3A_175 = arith.constant 0 : i32
    %dma_wait3A_176 = tpu.memref_slice %arg4[%add3A_170, %dma_wait3A_175] : memref<819200x128xf32, #tpu.memory_space<hbm>> -> memref<1280x32xf32, #tpu.memory_space<hbm>>
    %dma_wait3A_177 = arith.constant 0 : i32
    %dma_wait3A_178 = tpu.memref_slice %arg4[%add3A_170, %dma_wait3A_177] : memref<819200x128xf32, #tpu.memory_space<hbm>> -> memref<1280x32xf32, #tpu.memory_space<hbm>>
    tpu.wait_dma2 semaphore(%arg11 : memref<!tpu.dma_semaphore, #tpu.memory_space<semaphore_mem>>) src(%arg7 : memref<1280x32xf32, #tpu.memory_space<vmem>>) dst(%dma_wait3A_178 : memref<1280x32xf32, #tpu.memory_space<hbm>>)
    %add3A_179 = arith.constant 10240 : i32
    %add3A_180 = arith.addi %mul3A_2, %add3A_179 : i32
    "tpu.region"() ({
      %run_scoped3A = tpu.sem_alloc : memref<!tpu.dma_semaphore, #tpu.memory_space<semaphore_mem>>
      %dma_start3A_480 = tpu.memref_slice %arg2[%add3A_180] : memref<819200xi32, #tpu.memory_space<hbm>> -> memref<1280xi32, #tpu.memory_space<hbm>>
      %dma_start3A_481 = tpu.memref_slice %arg2[%add3A_180] : memref<819200xi32, #tpu.memory_space<hbm>> -> memref<1280xi32, #tpu.memory_space<hbm>>
      tpu.enqueue_dma source(%dma_start3A_481 : memref<1280xi32, #tpu.memory_space<hbm>>) target(%arg5 : memref<1280xi32, #tpu.memory_space<vmem>>) target_semaphore(%run_scoped3A : memref<!tpu.dma_semaphore, #tpu.memory_space<semaphore_mem>>)
      %dma_wait3A_482 = tpu.memref_slice %arg2[%add3A_180] : memref<819200xi32, #tpu.memory_space<hbm>> -> memref<1280xi32, #tpu.memory_space<hbm>>
      %dma_wait3A_483 = tpu.memref_slice %arg2[%add3A_180] : memref<819200xi32, #tpu.memory_space<hbm>> -> memref<1280xi32, #tpu.memory_space<hbm>>
      tpu.wait_dma2 semaphore(%run_scoped3A : memref<!tpu.dma_semaphore, #tpu.memory_space<semaphore_mem>>) src(%dma_wait3A_483 : memref<1280xi32, #tpu.memory_space<hbm>>) dst(%arg5 : memref<1280xi32, #tpu.memory_space<vmem>>)
      tpu.yield
    }) : () -> ()
    %scan3A_181 = arith.constant 0 : i32
    %scan3A_182 = arith.constant 0 : i32
    %scan3A_183 = arith.constant 80 : i32
    %scan3A_184 = arith.addi %scan3A_182, %scan3A_183 : i32
    %scan3A_185 = arith.constant 1 : i32
    scf.for %scan3A_480 = %scan3A_182 to %scan3A_184 step %scan3A_185  : i32 {
      %mul3A_481 = arith.constant 16 : i32
      %mul3A_482 = arith.muli %scan3A_480, %mul3A_481 : i32
      %get3A = arith.index_cast %mul3A_482 : i32 to index
      %get3A_483 = tpu.vector_load %arg5[%get3A] {strides = array<i32>} : memref<1280xi32, #tpu.memory_space<vmem>>, vector<16xi32>,
      %get3A_484 = vector.shape_cast %get3A_483 : vector<16xi32> to vector<16xi32>
      %add3A_485 = arith.constant 1 : i32
      %add3A_486 = vector.broadcast %add3A_485 : i32 to vector<16xi32>
      %add3A_487 = arith.addi %get3A_484, %add3A_486 : vector<16xi32>
      %max3A = arith.constant 0 : i32
      %max3A_488 = vector.broadcast %max3A : i32 to vector<16xi32>
      %max3A_489 = arith.maxsi %add3A_487, %max3A_488 : vector<16xi32>
      %swap3A = arith.index_cast %mul3A_482 : i32 to index
      %swap3A_490 = tpu.vector_load %arg5[%swap3A] {strides = array<i32>} : memref<1280xi32, #tpu.memory_space<vmem>>, vector<16xi32>,
      %swap3A_491 = vector.shape_cast %swap3A_490 : vector<16xi32> to vector<16xi32>
      %swap3A_492 = vector.shape_cast %max3A_489 : vector<16xi32> to vector<16xi32>
      tpu.vector_store %arg5[%swap3A], %swap3A_492 {strides = array<i32>} : memref<1280xi32, #tpu.memory_space<vmem>>, vector<16xi32>,
    }
    %scan3A_186 = arith.constant 80 : i32
    %dma_start3A_187 = arith.constant 0 : i32
    %dma_start3A_188 = arith.constant 0 : i32
    %dma_start3A_189 = tpu.memref_slice %arg3[%dma_start3A_187, %dma_start3A_188] : memref<1000001x32xf32, #tpu.memory_space<hbm>> -> memref<1000001x32xf32, #tpu.memory_space<hbm>>
    tpu.enqueue_indirect_dma source(%dma_start3A_189 : memref<1000001x32xf32, #tpu.memory_space<hbm>>) target(%arg7 : memref<1280x32xf32, #tpu.memory_space<vmem>>) offsets(%arg5 : memref<1280xi32, #tpu.memory_space<vmem>>) semaphore(%arg9 : memref<!tpu.dma_semaphore, #tpu.memory_space<semaphore_mem>>)
    %dma_wait3A_190 = arith.constant 0 : i32
    %dma_wait3A_191 = arith.constant 0 : i32
    %dma_wait3A_192 = tpu.memref_slice %arg3[%dma_wait3A_190, %dma_wait3A_191] : memref<1000001x32xf32, #tpu.memory_space<hbm>> -> memref<1000001x32xf32, #tpu.memory_space<hbm>>
    tpu.wait_indirect_dma semaphore(%arg10 : memref<!tpu.dma_semaphore, #tpu.memory_space<semaphore_mem>>) src(%dma_wait3A_192 : memref<1000001x32xf32, #tpu.memory_space<hbm>>) dst(%arg8 : memref<1280x32xf32, #tpu.memory_space<vmem>>)
    %add3A_193 = arith.constant 8960 : i32
    %add3A_194 = arith.addi %mul3A_2, %add3A_193 : i32
    %dma_start3A_195 = arith.constant 0 : i32
    %dma_start3A_196 = tpu.memref_slice %arg4[%add3A_194, %dma_start3A_195] : memref<819200x128xf32, #tpu.memory_space<hbm>> -> memref<1280x32xf32, #tpu.memory_space<hbm>>
    %dma_start3A_197 = arith.constant 0 : i32
    %dma_start3A_198 = tpu.memref_slice %arg4[%add3A_194, %dma_start3A_197] : memref<819200x128xf32, #tpu.memory_space<hbm>> -> memref<1280x32xf32, #tpu.memory_space<hbm>>
    tpu.enqueue_dma source(%arg8 : memref<1280x32xf32, #tpu.memory_space<vmem>>) target(%dma_start3A_198 : memref<1280x32xf32, #tpu.memory_space<hbm>>) target_semaphore(%arg12 : memref<!tpu.dma_semaphore, #tpu.memory_space<semaphore_mem>>)
    %dma_wait3A_199 = arith.constant 0 : i32
    %dma_wait3A_200 = tpu.memref_slice %arg4[%add3A_194, %dma_wait3A_199] : memref<819200x128xf32, #tpu.memory_space<hbm>> -> memref<1280x32xf32, #tpu.memory_space<hbm>>
    %dma_wait3A_201 = arith.constant 0 : i32
    %dma_wait3A_202 = tpu.memref_slice %arg4[%add3A_194, %dma_wait3A_201] : memref<819200x128xf32, #tpu.memory_space<hbm>> -> memref<1280x32xf32, #tpu.memory_space<hbm>>
    tpu.wait_dma2 semaphore(%arg12 : memref<!tpu.dma_semaphore, #tpu.memory_space<semaphore_mem>>) src(%arg8 : memref<1280x32xf32, #tpu.memory_space<vmem>>) dst(%dma_wait3A_202 : memref<1280x32xf32, #tpu.memory_space<hbm>>)
    %add3A_203 = arith.constant 11520 : i32
    %add3A_204 = arith.addi %mul3A_2, %add3A_203 : i32
    "tpu.region"() ({
      %run_scoped3A = tpu.sem_alloc : memref<!tpu.dma_semaphore, #tpu.memory_space<semaphore_mem>>
      %dma_start3A_480 = tpu.memref_slice %arg2[%add3A_204] : memref<819200xi32, #tpu.memory_space<hbm>> -> memref<1280xi32, #tpu.memory_space<hbm>>
      %dma_start3A_481 = tpu.memref_slice %arg2[%add3A_204] : memref<819200xi32, #tpu.memory_space<hbm>> -> memref<1280xi32, #tpu.memory_space<hbm>>
      tpu.enqueue_dma source(%dma_start3A_481 : memref<1280xi32, #tpu.memory_space<hbm>>) target(%arg6 : memref<1280xi32, #tpu.memory_space<vmem>>) target_semaphore(%run_scoped3A : memref<!tpu.dma_semaphore, #tpu.memory_space<semaphore_mem>>)
      %dma_wait3A_482 = tpu.memref_slice %arg2[%add3A_204] : memref<819200xi32, #tpu.memory_space<hbm>> -> memref<1280xi32, #tpu.memory_space<hbm>>
      %dma_wait3A_483 = tpu.memref_slice %arg2[%add3A_204] : memref<819200xi32, #tpu.memory_space<hbm>> -> memref<1280xi32, #tpu.memory_space<hbm>>
      tpu.wait_dma2 semaphore(%run_scoped3A : memref<!tpu.dma_semaphore, #tpu.memory_space<semaphore_mem>>) src(%dma_wait3A_483 : memref<1280xi32, #tpu.memory_space<hbm>>) dst(%arg6 : memref<1280xi32, #tpu.memory_space<vmem>>)
      tpu.yield
    }) : () -> ()
    %scan3A_205 = arith.constant 0 : i32
    %scan3A_206 = arith.constant 0 : i32
    %scan3A_207 = arith.constant 80 : i32
    %scan3A_208 = arith.addi %scan3A_206, %scan3A_207 : i32
    %scan3A_209 = arith.constant 1 : i32
    scf.for %scan3A_480 = %scan3A_206 to %scan3A_208 step %scan3A_209  : i32 {
      %mul3A_481 = arith.constant 16 : i32
      %mul3A_482 = arith.muli %scan3A_480, %mul3A_481 : i32
      %get3A = arith.index_cast %mul3A_482 : i32 to index
      %get3A_483 = tpu.vector_load %arg6[%get3A] {strides = array<i32>} : memref<1280xi32, #tpu.memory_space<vmem>>, vector<16xi32>,
      %get3A_484 = vector.shape_cast %get3A_483 : vector<16xi32> to vector<16xi32>
      %add3A_485 = arith.constant 1 : i32
      %add3A_486 = vector.broadcast %add3A_485 : i32 to vector<16xi32>
      %add3A_487 = arith.addi %get3A_484, %add3A_486 : vector<16xi32>
      %max3A = arith.constant 0 : i32
      %max3A_488 = vector.broadcast %max3A : i32 to vector<16xi32>
      %max3A_489 = arith.maxsi %add3A_487, %max3A_488 : vector<16xi32>
      %swap3A = arith.index_cast %mul3A_482 : i32 to index
      %swap3A_490 = tpu.vector_load %arg6[%swap3A] {strides = array<i32>} : memref<1280xi32, #tpu.memory_space<vmem>>, vector<16xi32>,
      %swap3A_491 = vector.shape_cast %swap3A_490 : vector<16xi32> to vector<16xi32>
      %swap3A_492 = vector.shape_cast %max3A_489 : vector<16xi32> to vector<16xi32>
      tpu.vector_store %arg6[%swap3A], %swap3A_492 {strides = array<i32>} : memref<1280xi32, #tpu.memory_space<vmem>>, vector<16xi32>,
    }
    %scan3A_210 = arith.constant 80 : i32
    %dma_start3A_211 = arith.constant 0 : i32
    %dma_start3A_212 = arith.constant 0 : i32
    %dma_start3A_213 = tpu.memref_slice %arg3[%dma_start3A_211, %dma_start3A_212] : memref<1000001x32xf32, #tpu.memory_space<hbm>> -> memref<1000001x32xf32, #tpu.memory_space<hbm>>
    tpu.enqueue_indirect_dma source(%dma_start3A_213 : memref<1000001x32xf32, #tpu.memory_space<hbm>>) target(%arg8 : memref<1280x32xf32, #tpu.memory_space<vmem>>) offsets(%arg6 : memref<1280xi32, #tpu.memory_space<vmem>>) semaphore(%arg10 : memref<!tpu.dma_semaphore, #tpu.memory_space<semaphore_mem>>)
    %dma_wait3A_214 = arith.constant 0 : i32
    %dma_wait3A_215 = arith.constant 0 : i32
    %dma_wait3A_216 = tpu.memref_slice %arg3[%dma_wait3A_214, %dma_wait3A_215] : memref<1000001x32xf32, #tpu.memory_space<hbm>> -> memref<1000001x32xf32, #tpu.memory_space<hbm>>
    tpu.wait_indirect_dma semaphore(%arg9 : memref<!tpu.dma_semaphore, #tpu.memory_space<semaphore_mem>>) src(%dma_wait3A_216 : memref<1000001x32xf32, #tpu.memory_space<hbm>>) dst(%arg7 : memref<1280x32xf32, #tpu.memory_space<vmem>>)
    %add3A_217 = arith.constant 10240 : i32
    %add3A_218 = arith.addi %mul3A_2, %add3A_217 : i32
    %dma_start3A_219 = arith.constant 0 : i32
    %dma_start3A_220 = tpu.memref_slice %arg4[%add3A_218, %dma_start3A_219] : memref<819200x128xf32, #tpu.memory_space<hbm>> -> memref<1280x32xf32, #tpu.memory_space<hbm>>
    %dma_start3A_221 = arith.constant 0 : i32
    %dma_start3A_222 = tpu.memref_slice %arg4[%add3A_218, %dma_start3A_221] : memref<819200x128xf32, #tpu.memory_space<hbm>> -> memref<1280x32xf32, #tpu.memory_space<hbm>>
    tpu.enqueue_dma source(%arg7 : memref<1280x32xf32, #tpu.memory_space<vmem>>) target(%dma_start3A_222 : memref<1280x32xf32, #tpu.memory_space<hbm>>) target_semaphore(%arg11 : memref<!tpu.dma_semaphore, #tpu.memory_space<semaphore_mem>>)
    %dma_wait3A_223 = arith.constant 0 : i32
    %dma_wait3A_224 = tpu.memref_slice %arg4[%add3A_218, %dma_wait3A_223] : memref<819200x128xf32, #tpu.memory_space<hbm>> -> memref<1280x32xf32, #tpu.memory_space<hbm>>
    %dma_wait3A_225 = arith.constant 0 : i32
    %dma_wait3A_226 = tpu.memref_slice %arg4[%add3A_218, %dma_wait3A_225] : memref<819200x128xf32, #tpu.memory_space<hbm>> -> memref<1280x32xf32, #tpu.memory_space<hbm>>
    tpu.wait_dma2 semaphore(%arg11 : memref<!tpu.dma_semaphore, #tpu.memory_space<semaphore_mem>>) src(%arg7 : memref<1280x32xf32, #tpu.memory_space<vmem>>) dst(%dma_wait3A_226 : memref<1280x32xf32, #tpu.memory_space<hbm>>)
    %add3A_227 = arith.constant 12800 : i32
    %add3A_228 = arith.addi %mul3A_2, %add3A_227 : i32
    "tpu.region"() ({
      %run_scoped3A = tpu.sem_alloc : memref<!tpu.dma_semaphore, #tpu.memory_space<semaphore_mem>>
      %dma_start3A_480 = tpu.memref_slice %arg2[%add3A_228] : memref<819200xi32, #tpu.memory_space<hbm>> -> memref<1280xi32, #tpu.memory_space<hbm>>
      %dma_start3A_481 = tpu.memref_slice %arg2[%add3A_228] : memref<819200xi32, #tpu.memory_space<hbm>> -> memref<1280xi32, #tpu.memory_space<hbm>>
      tpu.enqueue_dma source(%dma_start3A_481 : memref<1280xi32, #tpu.memory_space<hbm>>) target(%arg5 : memref<1280xi32, #tpu.memory_space<vmem>>) target_semaphore(%run_scoped3A : memref<!tpu.dma_semaphore, #tpu.memory_space<semaphore_mem>>)
      %dma_wait3A_482 = tpu.memref_slice %arg2[%add3A_228] : memref<819200xi32, #tpu.memory_space<hbm>> -> memref<1280xi32, #tpu.memory_space<hbm>>
      %dma_wait3A_483 = tpu.memref_slice %arg2[%add3A_228] : memref<819200xi32, #tpu.memory_space<hbm>> -> memref<1280xi32, #tpu.memory_space<hbm>>
      tpu.wait_dma2 semaphore(%run_scoped3A : memref<!tpu.dma_semaphore, #tpu.memory_space<semaphore_mem>>) src(%dma_wait3A_483 : memref<1280xi32, #tpu.memory_space<hbm>>) dst(%arg5 : memref<1280xi32, #tpu.memory_space<vmem>>)
      tpu.yield
    }) : () -> ()
    %scan3A_229 = arith.constant 0 : i32
    %scan3A_230 = arith.constant 0 : i32
    %scan3A_231 = arith.constant 80 : i32
    %scan3A_232 = arith.addi %scan3A_230, %scan3A_231 : i32
    %scan3A_233 = arith.constant 1 : i32
    scf.for %scan3A_480 = %scan3A_230 to %scan3A_232 step %scan3A_233  : i32 {
      %mul3A_481 = arith.constant 16 : i32
      %mul3A_482 = arith.muli %scan3A_480, %mul3A_481 : i32
      %get3A = arith.index_cast %mul3A_482 : i32 to index
      %get3A_483 = tpu.vector_load %arg5[%get3A] {strides = array<i32>} : memref<1280xi32, #tpu.memory_space<vmem>>, vector<16xi32>,
      %get3A_484 = vector.shape_cast %get3A_483 : vector<16xi32> to vector<16xi32>
      %add3A_485 = arith.constant 1 : i32
      %add3A_486 = vector.broadcast %add3A_485 : i32 to vector<16xi32>
      %add3A_487 = arith.addi %get3A_484, %add3A_486 : vector<16xi32>
      %max3A = arith.constant 0 : i32
      %max3A_488 = vector.broadcast %max3A : i32 to vector<16xi32>
      %max3A_489 = arith.maxsi %add3A_487, %max3A_488 : vector<16xi32>
      %swap3A = arith.index_cast %mul3A_482 : i32 to index
      %swap3A_490 = tpu.vector_load %arg5[%swap3A] {strides = array<i32>} : memref<1280xi32, #tpu.memory_space<vmem>>, vector<16xi32>,
      %swap3A_491 = vector.shape_cast %swap3A_490 : vector<16xi32> to vector<16xi32>
      %swap3A_492 = vector.shape_cast %max3A_489 : vector<16xi32> to vector<16xi32>
      tpu.vector_store %arg5[%swap3A], %swap3A_492 {strides = array<i32>} : memref<1280xi32, #tpu.memory_space<vmem>>, vector<16xi32>,
    }
    %scan3A_234 = arith.constant 80 : i32
    %dma_start3A_235 = arith.constant 0 : i32
    %dma_start3A_236 = arith.constant 0 : i32
    %dma_start3A_237 = tpu.memref_slice %arg3[%dma_start3A_235, %dma_start3A_236] : memref<1000001x32xf32, #tpu.memory_space<hbm>> -> memref<1000001x32xf32, #tpu.memory_space<hbm>>
    tpu.enqueue_indirect_dma source(%dma_start3A_237 : memref<1000001x32xf32, #tpu.memory_space<hbm>>) target(%arg7 : memref<1280x32xf32, #tpu.memory_space<vmem>>) offsets(%arg5 : memref<1280xi32, #tpu.memory_space<vmem>>) semaphore(%arg9 : memref<!tpu.dma_semaphore, #tpu.memory_space<semaphore_mem>>)
    %dma_wait3A_238 = arith.constant 0 : i32
    %dma_wait3A_239 = arith.constant 0 : i32
    %dma_wait3A_240 = tpu.memref_slice %arg3[%dma_wait3A_238, %dma_wait3A_239] : memref<1000001x32xf32, #tpu.memory_space<hbm>> -> memref<1000001x32xf32, #tpu.memory_space<hbm>>
    tpu.wait_indirect_dma semaphore(%arg10 : memref<!tpu.dma_semaphore, #tpu.memory_space<semaphore_mem>>) src(%dma_wait3A_240 : memref<1000001x32xf32, #tpu.memory_space<hbm>>) dst(%arg8 : memref<1280x32xf32, #tpu.memory_space<vmem>>)
    %add3A_241 = arith.constant 11520 : i32
    %add3A_242 = arith.addi %mul3A_2, %add3A_241 : i32
    %dma_start3A_243 = arith.constant 0 : i32
    %dma_start3A_244 = tpu.memref_slice %arg4[%add3A_242, %dma_start3A_243] : memref<819200x128xf32, #tpu.memory_space<hbm>> -> memref<1280x32xf32, #tpu.memory_space<hbm>>
    %dma_start3A_245 = arith.constant 0 : i32
    %dma_start3A_246 = tpu.memref_slice %arg4[%add3A_242, %dma_start3A_245] : memref<819200x128xf32, #tpu.memory_space<hbm>> -> memref<1280x32xf32, #tpu.memory_space<hbm>>
    tpu.enqueue_dma source(%arg8 : memref<1280x32xf32, #tpu.memory_space<vmem>>) target(%dma_start3A_246 : memref<1280x32xf32, #tpu.memory_space<hbm>>) target_semaphore(%arg12 : memref<!tpu.dma_semaphore, #tpu.memory_space<semaphore_mem>>)
    %dma_wait3A_247 = arith.constant 0 : i32
    %dma_wait3A_248 = tpu.memref_slice %arg4[%add3A_242, %dma_wait3A_247] : memref<819200x128xf32, #tpu.memory_space<hbm>> -> memref<1280x32xf32, #tpu.memory_space<hbm>>
    %dma_wait3A_249 = arith.constant 0 : i32
    %dma_wait3A_250 = tpu.memref_slice %arg4[%add3A_242, %dma_wait3A_249] : memref<819200x128xf32, #tpu.memory_space<hbm>> -> memref<1280x32xf32, #tpu.memory_space<hbm>>
    tpu.wait_dma2 semaphore(%arg12 : memref<!tpu.dma_semaphore, #tpu.memory_space<semaphore_mem>>) src(%arg8 : memref<1280x32xf32, #tpu.memory_space<vmem>>) dst(%dma_wait3A_250 : memref<1280x32xf32, #tpu.memory_space<hbm>>)
    %add3A_251 = arith.constant 14080 : i32
    %add3A_252 = arith.addi %mul3A_2, %add3A_251 : i32
    "tpu.region"() ({
      %run_scoped3A = tpu.sem_alloc : memref<!tpu.dma_semaphore, #tpu.memory_space<semaphore_mem>>
      %dma_start3A_480 = tpu.memref_slice %arg2[%add3A_252] : memref<819200xi32, #tpu.memory_space<hbm>> -> memref<1280xi32, #tpu.memory_space<hbm>>
      %dma_start3A_481 = tpu.memref_slice %arg2[%add3A_252] : memref<819200xi32, #tpu.memory_space<hbm>> -> memref<1280xi32, #tpu.memory_space<hbm>>
      tpu.enqueue_dma source(%dma_start3A_481 : memref<1280xi32, #tpu.memory_space<hbm>>) target(%arg6 : memref<1280xi32, #tpu.memory_space<vmem>>) target_semaphore(%run_scoped3A : memref<!tpu.dma_semaphore, #tpu.memory_space<semaphore_mem>>)
      %dma_wait3A_482 = tpu.memref_slice %arg2[%add3A_252] : memref<819200xi32, #tpu.memory_space<hbm>> -> memref<1280xi32, #tpu.memory_space<hbm>>
      %dma_wait3A_483 = tpu.memref_slice %arg2[%add3A_252] : memref<819200xi32, #tpu.memory_space<hbm>> -> memref<1280xi32, #tpu.memory_space<hbm>>
      tpu.wait_dma2 semaphore(%run_scoped3A : memref<!tpu.dma_semaphore, #tpu.memory_space<semaphore_mem>>) src(%dma_wait3A_483 : memref<1280xi32, #tpu.memory_space<hbm>>) dst(%arg6 : memref<1280xi32, #tpu.memory_space<vmem>>)
      tpu.yield
    }) : () -> ()
    %scan3A_253 = arith.constant 0 : i32
    %scan3A_254 = arith.constant 0 : i32
    %scan3A_255 = arith.constant 80 : i32
    %scan3A_256 = arith.addi %scan3A_254, %scan3A_255 : i32
    %scan3A_257 = arith.constant 1 : i32
    scf.for %scan3A_480 = %scan3A_254 to %scan3A_256 step %scan3A_257  : i32 {
      %mul3A_481 = arith.constant 16 : i32
      %mul3A_482 = arith.muli %scan3A_480, %mul3A_481 : i32
      %get3A = arith.index_cast %mul3A_482 : i32 to index
      %get3A_483 = tpu.vector_load %arg6[%get3A] {strides = array<i32>} : memref<1280xi32, #tpu.memory_space<vmem>>, vector<16xi32>,
      %get3A_484 = vector.shape_cast %get3A_483 : vector<16xi32> to vector<16xi32>
      %add3A_485 = arith.constant 1 : i32
      %add3A_486 = vector.broadcast %add3A_485 : i32 to vector<16xi32>
      %add3A_487 = arith.addi %get3A_484, %add3A_486 : vector<16xi32>
      %max3A = arith.constant 0 : i32
      %max3A_488 = vector.broadcast %max3A : i32 to vector<16xi32>
      %max3A_489 = arith.maxsi %add3A_487, %max3A_488 : vector<16xi32>
      %swap3A = arith.index_cast %mul3A_482 : i32 to index
      %swap3A_490 = tpu.vector_load %arg6[%swap3A] {strides = array<i32>} : memref<1280xi32, #tpu.memory_space<vmem>>, vector<16xi32>,
      %swap3A_491 = vector.shape_cast %swap3A_490 : vector<16xi32> to vector<16xi32>
      %swap3A_492 = vector.shape_cast %max3A_489 : vector<16xi32> to vector<16xi32>
      tpu.vector_store %arg6[%swap3A], %swap3A_492 {strides = array<i32>} : memref<1280xi32, #tpu.memory_space<vmem>>, vector<16xi32>,
    }
    %scan3A_258 = arith.constant 80 : i32
    %dma_start3A_259 = arith.constant 0 : i32
    %dma_start3A_260 = arith.constant 0 : i32
    %dma_start3A_261 = tpu.memref_slice %arg3[%dma_start3A_259, %dma_start3A_260] : memref<1000001x32xf32, #tpu.memory_space<hbm>> -> memref<1000001x32xf32, #tpu.memory_space<hbm>>
    tpu.enqueue_indirect_dma source(%dma_start3A_261 : memref<1000001x32xf32, #tpu.memory_space<hbm>>) target(%arg8 : memref<1280x32xf32, #tpu.memory_space<vmem>>) offsets(%arg6 : memref<1280xi32, #tpu.memory_space<vmem>>) semaphore(%arg10 : memref<!tpu.dma_semaphore, #tpu.memory_space<semaphore_mem>>)
    %dma_wait3A_262 = arith.constant 0 : i32
    %dma_wait3A_263 = arith.constant 0 : i32
    %dma_wait3A_264 = tpu.memref_slice %arg3[%dma_wait3A_262, %dma_wait3A_263] : memref<1000001x32xf32, #tpu.memory_space<hbm>> -> memref<1000001x32xf32, #tpu.memory_space<hbm>>
    tpu.wait_indirect_dma semaphore(%arg9 : memref<!tpu.dma_semaphore, #tpu.memory_space<semaphore_mem>>) src(%dma_wait3A_264 : memref<1000001x32xf32, #tpu.memory_space<hbm>>) dst(%arg7 : memref<1280x32xf32, #tpu.memory_space<vmem>>)
    %add3A_265 = arith.constant 12800 : i32
    %add3A_266 = arith.addi %mul3A_2, %add3A_265 : i32
    %dma_start3A_267 = arith.constant 0 : i32
    %dma_start3A_268 = tpu.memref_slice %arg4[%add3A_266, %dma_start3A_267] : memref<819200x128xf32, #tpu.memory_space<hbm>> -> memref<1280x32xf32, #tpu.memory_space<hbm>>
    %dma_start3A_269 = arith.constant 0 : i32
    %dma_start3A_270 = tpu.memref_slice %arg4[%add3A_266, %dma_start3A_269] : memref<819200x128xf32, #tpu.memory_space<hbm>> -> memref<1280x32xf32, #tpu.memory_space<hbm>>
    tpu.enqueue_dma source(%arg7 : memref<1280x32xf32, #tpu.memory_space<vmem>>) target(%dma_start3A_270 : memref<1280x32xf32, #tpu.memory_space<hbm>>) target_semaphore(%arg11 : memref<!tpu.dma_semaphore, #tpu.memory_space<semaphore_mem>>)
    %dma_wait3A_271 = arith.constant 0 : i32
    %dma_wait3A_272 = tpu.memref_slice %arg4[%add3A_266, %dma_wait3A_271] : memref<819200x128xf32, #tpu.memory_space<hbm>> -> memref<1280x32xf32, #tpu.memory_space<hbm>>
    %dma_wait3A_273 = arith.constant 0 : i32
    %dma_wait3A_274 = tpu.memref_slice %arg4[%add3A_266, %dma_wait3A_273] : memref<819200x128xf32, #tpu.memory_space<hbm>> -> memref<1280x32xf32, #tpu.memory_space<hbm>>
    tpu.wait_dma2 semaphore(%arg11 : memref<!tpu.dma_semaphore, #tpu.memory_space<semaphore_mem>>) src(%arg7 : memref<1280x32xf32, #tpu.memory_space<vmem>>) dst(%dma_wait3A_274 : memref<1280x32xf32, #tpu.memory_space<hbm>>)
    %add3A_275 = arith.constant 15360 : i32
    %add3A_276 = arith.addi %mul3A_2, %add3A_275 : i32
    "tpu.region"() ({
      %run_scoped3A = tpu.sem_alloc : memref<!tpu.dma_semaphore, #tpu.memory_space<semaphore_mem>>
      %dma_start3A_480 = tpu.memref_slice %arg2[%add3A_276] : memref<819200xi32, #tpu.memory_space<hbm>> -> memref<1280xi32, #tpu.memory_space<hbm>>
      %dma_start3A_481 = tpu.memref_slice %arg2[%add3A_276] : memref<819200xi32, #tpu.memory_space<hbm>> -> memref<1280xi32, #tpu.memory_space<hbm>>
      tpu.enqueue_dma source(%dma_start3A_481 : memref<1280xi32, #tpu.memory_space<hbm>>) target(%arg5 : memref<1280xi32, #tpu.memory_space<vmem>>) target_semaphore(%run_scoped3A : memref<!tpu.dma_semaphore, #tpu.memory_space<semaphore_mem>>)
      %dma_wait3A_482 = tpu.memref_slice %arg2[%add3A_276] : memref<819200xi32, #tpu.memory_space<hbm>> -> memref<1280xi32, #tpu.memory_space<hbm>>
      %dma_wait3A_483 = tpu.memref_slice %arg2[%add3A_276] : memref<819200xi32, #tpu.memory_space<hbm>> -> memref<1280xi32, #tpu.memory_space<hbm>>
      tpu.wait_dma2 semaphore(%run_scoped3A : memref<!tpu.dma_semaphore, #tpu.memory_space<semaphore_mem>>) src(%dma_wait3A_483 : memref<1280xi32, #tpu.memory_space<hbm>>) dst(%arg5 : memref<1280xi32, #tpu.memory_space<vmem>>)
      tpu.yield
    }) : () -> ()
    %scan3A_277 = arith.constant 0 : i32
    %scan3A_278 = arith.constant 0 : i32
    %scan3A_279 = arith.constant 80 : i32
    %scan3A_280 = arith.addi %scan3A_278, %scan3A_279 : i32
    %scan3A_281 = arith.constant 1 : i32
    scf.for %scan3A_480 = %scan3A_278 to %scan3A_280 step %scan3A_281  : i32 {
      %mul3A_481 = arith.constant 16 : i32
      %mul3A_482 = arith.muli %scan3A_480, %mul3A_481 : i32
      %get3A = arith.index_cast %mul3A_482 : i32 to index
      %get3A_483 = tpu.vector_load %arg5[%get3A] {strides = array<i32>} : memref<1280xi32, #tpu.memory_space<vmem>>, vector<16xi32>,
      %get3A_484 = vector.shape_cast %get3A_483 : vector<16xi32> to vector<16xi32>
      %add3A_485 = arith.constant 1 : i32
      %add3A_486 = vector.broadcast %add3A_485 : i32 to vector<16xi32>
      %add3A_487 = arith.addi %get3A_484, %add3A_486 : vector<16xi32>
      %max3A = arith.constant 0 : i32
      %max3A_488 = vector.broadcast %max3A : i32 to vector<16xi32>
      %max3A_489 = arith.maxsi %add3A_487, %max3A_488 : vector<16xi32>
      %swap3A = arith.index_cast %mul3A_482 : i32 to index
      %swap3A_490 = tpu.vector_load %arg5[%swap3A] {strides = array<i32>} : memref<1280xi32, #tpu.memory_space<vmem>>, vector<16xi32>,
      %swap3A_491 = vector.shape_cast %swap3A_490 : vector<16xi32> to vector<16xi32>
      %swap3A_492 = vector.shape_cast %max3A_489 : vector<16xi32> to vector<16xi32>
      tpu.vector_store %arg5[%swap3A], %swap3A_492 {strides = array<i32>} : memref<1280xi32, #tpu.memory_space<vmem>>, vector<16xi32>,
    }
    %scan3A_282 = arith.constant 80 : i32
    %dma_start3A_283 = arith.constant 0 : i32
    %dma_start3A_284 = arith.constant 0 : i32
    %dma_start3A_285 = tpu.memref_slice %arg3[%dma_start3A_283, %dma_start3A_284] : memref<1000001x32xf32, #tpu.memory_space<hbm>> -> memref<1000001x32xf32, #tpu.memory_space<hbm>>
    tpu.enqueue_indirect_dma source(%dma_start3A_285 : memref<1000001x32xf32, #tpu.memory_space<hbm>>) target(%arg7 : memref<1280x32xf32, #tpu.memory_space<vmem>>) offsets(%arg5 : memref<1280xi32, #tpu.memory_space<vmem>>) semaphore(%arg9 : memref<!tpu.dma_semaphore, #tpu.memory_space<semaphore_mem>>)
    %dma_wait3A_286 = arith.constant 0 : i32
    %dma_wait3A_287 = arith.constant 0 : i32
    %dma_wait3A_288 = tpu.memref_slice %arg3[%dma_wait3A_286, %dma_wait3A_287] : memref<1000001x32xf32, #tpu.memory_space<hbm>> -> memref<1000001x32xf32, #tpu.memory_space<hbm>>
    tpu.wait_indirect_dma semaphore(%arg10 : memref<!tpu.dma_semaphore, #tpu.memory_space<semaphore_mem>>) src(%dma_wait3A_288 : memref<1000001x32xf32, #tpu.memory_space<hbm>>) dst(%arg8 : memref<1280x32xf32, #tpu.memory_space<vmem>>)
    %add3A_289 = arith.constant 14080 : i32
    %add3A_290 = arith.addi %mul3A_2, %add3A_289 : i32
    %dma_start3A_291 = arith.constant 0 : i32
    %dma_start3A_292 = tpu.memref_slice %arg4[%add3A_290, %dma_start3A_291] : memref<819200x128xf32, #tpu.memory_space<hbm>> -> memref<1280x32xf32, #tpu.memory_space<hbm>>
    %dma_start3A_293 = arith.constant 0 : i32
    %dma_start3A_294 = tpu.memref_slice %arg4[%add3A_290, %dma_start3A_293] : memref<819200x128xf32, #tpu.memory_space<hbm>> -> memref<1280x32xf32, #tpu.memory_space<hbm>>
    tpu.enqueue_dma source(%arg8 : memref<1280x32xf32, #tpu.memory_space<vmem>>) target(%dma_start3A_294 : memref<1280x32xf32, #tpu.memory_space<hbm>>) target_semaphore(%arg12 : memref<!tpu.dma_semaphore, #tpu.memory_space<semaphore_mem>>)
    %dma_wait3A_295 = arith.constant 0 : i32
    %dma_wait3A_296 = tpu.memref_slice %arg4[%add3A_290, %dma_wait3A_295] : memref<819200x128xf32, #tpu.memory_space<hbm>> -> memref<1280x32xf32, #tpu.memory_space<hbm>>
    %dma_wait3A_297 = arith.constant 0 : i32
    %dma_wait3A_298 = tpu.memref_slice %arg4[%add3A_290, %dma_wait3A_297] : memref<819200x128xf32, #tpu.memory_space<hbm>> -> memref<1280x32xf32, #tpu.memory_space<hbm>>
    tpu.wait_dma2 semaphore(%arg12 : memref<!tpu.dma_semaphore, #tpu.memory_space<semaphore_mem>>) src(%arg8 : memref<1280x32xf32, #tpu.memory_space<vmem>>) dst(%dma_wait3A_298 : memref<1280x32xf32, #tpu.memory_space<hbm>>)
    %add3A_299 = arith.constant 16640 : i32
    %add3A_300 = arith.addi %mul3A_2, %add3A_299 : i32
    "tpu.region"() ({
      %run_scoped3A = tpu.sem_alloc : memref<!tpu.dma_semaphore, #tpu.memory_space<semaphore_mem>>
      %dma_start3A_480 = tpu.memref_slice %arg2[%add3A_300] : memref<819200xi32, #tpu.memory_space<hbm>> -> memref<1280xi32, #tpu.memory_space<hbm>>
      %dma_start3A_481 = tpu.memref_slice %arg2[%add3A_300] : memref<819200xi32, #tpu.memory_space<hbm>> -> memref<1280xi32, #tpu.memory_space<hbm>>
      tpu.enqueue_dma source(%dma_start3A_481 : memref<1280xi32, #tpu.memory_space<hbm>>) target(%arg6 : memref<1280xi32, #tpu.memory_space<vmem>>) target_semaphore(%run_scoped3A : memref<!tpu.dma_semaphore, #tpu.memory_space<semaphore_mem>>)
      %dma_wait3A_482 = tpu.memref_slice %arg2[%add3A_300] : memref<819200xi32, #tpu.memory_space<hbm>> -> memref<1280xi32, #tpu.memory_space<hbm>>
      %dma_wait3A_483 = tpu.memref_slice %arg2[%add3A_300] : memref<819200xi32, #tpu.memory_space<hbm>> -> memref<1280xi32, #tpu.memory_space<hbm>>
      tpu.wait_dma2 semaphore(%run_scoped3A : memref<!tpu.dma_semaphore, #tpu.memory_space<semaphore_mem>>) src(%dma_wait3A_483 : memref<1280xi32, #tpu.memory_space<hbm>>) dst(%arg6 : memref<1280xi32, #tpu.memory_space<vmem>>)
      tpu.yield
    }) : () -> ()
    %scan3A_301 = arith.constant 0 : i32
    %scan3A_302 = arith.constant 0 : i32
    %scan3A_303 = arith.constant 80 : i32
    %scan3A_304 = arith.addi %scan3A_302, %scan3A_303 : i32
    %scan3A_305 = arith.constant 1 : i32
    scf.for %scan3A_480 = %scan3A_302 to %scan3A_304 step %scan3A_305  : i32 {
      %mul3A_481 = arith.constant 16 : i32
      %mul3A_482 = arith.muli %scan3A_480, %mul3A_481 : i32
      %get3A = arith.index_cast %mul3A_482 : i32 to index
      %get3A_483 = tpu.vector_load %arg6[%get3A] {strides = array<i32>} : memref<1280xi32, #tpu.memory_space<vmem>>, vector<16xi32>,
      %get3A_484 = vector.shape_cast %get3A_483 : vector<16xi32> to vector<16xi32>
      %add3A_485 = arith.constant 1 : i32
      %add3A_486 = vector.broadcast %add3A_485 : i32 to vector<16xi32>
      %add3A_487 = arith.addi %get3A_484, %add3A_486 : vector<16xi32>
      %max3A = arith.constant 0 : i32
      %max3A_488 = vector.broadcast %max3A : i32 to vector<16xi32>
      %max3A_489 = arith.maxsi %add3A_487, %max3A_488 : vector<16xi32>
      %swap3A = arith.index_cast %mul3A_482 : i32 to index
      %swap3A_490 = tpu.vector_load %arg6[%swap3A] {strides = array<i32>} : memref<1280xi32, #tpu.memory_space<vmem>>, vector<16xi32>,
      %swap3A_491 = vector.shape_cast %swap3A_490 : vector<16xi32> to vector<16xi32>
      %swap3A_492 = vector.shape_cast %max3A_489 : vector<16xi32> to vector<16xi32>
      tpu.vector_store %arg6[%swap3A], %swap3A_492 {strides = array<i32>} : memref<1280xi32, #tpu.memory_space<vmem>>, vector<16xi32>,
    }
    %scan3A_306 = arith.constant 80 : i32
    %dma_start3A_307 = arith.constant 0 : i32
    %dma_start3A_308 = arith.constant 0 : i32
    %dma_start3A_309 = tpu.memref_slice %arg3[%dma_start3A_307, %dma_start3A_308] : memref<1000001x32xf32, #tpu.memory_space<hbm>> -> memref<1000001x32xf32, #tpu.memory_space<hbm>>
    tpu.enqueue_indirect_dma source(%dma_start3A_309 : memref<1000001x32xf32, #tpu.memory_space<hbm>>) target(%arg8 : memref<1280x32xf32, #tpu.memory_space<vmem>>) offsets(%arg6 : memref<1280xi32, #tpu.memory_space<vmem>>) semaphore(%arg10 : memref<!tpu.dma_semaphore, #tpu.memory_space<semaphore_mem>>)
    %dma_wait3A_310 = arith.constant 0 : i32
    %dma_wait3A_311 = arith.constant 0 : i32
    %dma_wait3A_312 = tpu.memref_slice %arg3[%dma_wait3A_310, %dma_wait3A_311] : memref<1000001x32xf32, #tpu.memory_space<hbm>> -> memref<1000001x32xf32, #tpu.memory_space<hbm>>
    tpu.wait_indirect_dma semaphore(%arg9 : memref<!tpu.dma_semaphore, #tpu.memory_space<semaphore_mem>>) src(%dma_wait3A_312 : memref<1000001x32xf32, #tpu.memory_space<hbm>>) dst(%arg7 : memref<1280x32xf32, #tpu.memory_space<vmem>>)
    %add3A_313 = arith.constant 15360 : i32
    %add3A_314 = arith.addi %mul3A_2, %add3A_313 : i32
    %dma_start3A_315 = arith.constant 0 : i32
    %dma_start3A_316 = tpu.memref_slice %arg4[%add3A_314, %dma_start3A_315] : memref<819200x128xf32, #tpu.memory_space<hbm>> -> memref<1280x32xf32, #tpu.memory_space<hbm>>
    %dma_start3A_317 = arith.constant 0 : i32
    %dma_start3A_318 = tpu.memref_slice %arg4[%add3A_314, %dma_start3A_317] : memref<819200x128xf32, #tpu.memory_space<hbm>> -> memref<1280x32xf32, #tpu.memory_space<hbm>>
    tpu.enqueue_dma source(%arg7 : memref<1280x32xf32, #tpu.memory_space<vmem>>) target(%dma_start3A_318 : memref<1280x32xf32, #tpu.memory_space<hbm>>) target_semaphore(%arg11 : memref<!tpu.dma_semaphore, #tpu.memory_space<semaphore_mem>>)
    %dma_wait3A_319 = arith.constant 0 : i32
    %dma_wait3A_320 = tpu.memref_slice %arg4[%add3A_314, %dma_wait3A_319] : memref<819200x128xf32, #tpu.memory_space<hbm>> -> memref<1280x32xf32, #tpu.memory_space<hbm>>
    %dma_wait3A_321 = arith.constant 0 : i32
    %dma_wait3A_322 = tpu.memref_slice %arg4[%add3A_314, %dma_wait3A_321] : memref<819200x128xf32, #tpu.memory_space<hbm>> -> memref<1280x32xf32, #tpu.memory_space<hbm>>
    tpu.wait_dma2 semaphore(%arg11 : memref<!tpu.dma_semaphore, #tpu.memory_space<semaphore_mem>>) src(%arg7 : memref<1280x32xf32, #tpu.memory_space<vmem>>) dst(%dma_wait3A_322 : memref<1280x32xf32, #tpu.memory_space<hbm>>)
    %add3A_323 = arith.constant 17920 : i32
    %add3A_324 = arith.addi %mul3A_2, %add3A_323 : i32
    "tpu.region"() ({
      %run_scoped3A = tpu.sem_alloc : memref<!tpu.dma_semaphore, #tpu.memory_space<semaphore_mem>>
      %dma_start3A_480 = tpu.memref_slice %arg2[%add3A_324] : memref<819200xi32, #tpu.memory_space<hbm>> -> memref<1280xi32, #tpu.memory_space<hbm>>
      %dma_start3A_481 = tpu.memref_slice %arg2[%add3A_324] : memref<819200xi32, #tpu.memory_space<hbm>> -> memref<1280xi32, #tpu.memory_space<hbm>>
      tpu.enqueue_dma source(%dma_start3A_481 : memref<1280xi32, #tpu.memory_space<hbm>>) target(%arg5 : memref<1280xi32, #tpu.memory_space<vmem>>) target_semaphore(%run_scoped3A : memref<!tpu.dma_semaphore, #tpu.memory_space<semaphore_mem>>)
      %dma_wait3A_482 = tpu.memref_slice %arg2[%add3A_324] : memref<819200xi32, #tpu.memory_space<hbm>> -> memref<1280xi32, #tpu.memory_space<hbm>>
      %dma_wait3A_483 = tpu.memref_slice %arg2[%add3A_324] : memref<819200xi32, #tpu.memory_space<hbm>> -> memref<1280xi32, #tpu.memory_space<hbm>>
      tpu.wait_dma2 semaphore(%run_scoped3A : memref<!tpu.dma_semaphore, #tpu.memory_space<semaphore_mem>>) src(%dma_wait3A_483 : memref<1280xi32, #tpu.memory_space<hbm>>) dst(%arg5 : memref<1280xi32, #tpu.memory_space<vmem>>)
      tpu.yield
    }) : () -> ()
    %scan3A_325 = arith.constant 0 : i32
    %scan3A_326 = arith.constant 0 : i32
    %scan3A_327 = arith.constant 80 : i32
    %scan3A_328 = arith.addi %scan3A_326, %scan3A_327 : i32
    %scan3A_329 = arith.constant 1 : i32
    scf.for %scan3A_480 = %scan3A_326 to %scan3A_328 step %scan3A_329  : i32 {
      %mul3A_481 = arith.constant 16 : i32
      %mul3A_482 = arith.muli %scan3A_480, %mul3A_481 : i32
      %get3A = arith.index_cast %mul3A_482 : i32 to index
      %get3A_483 = tpu.vector_load %arg5[%get3A] {strides = array<i32>} : memref<1280xi32, #tpu.memory_space<vmem>>, vector<16xi32>,
      %get3A_484 = vector.shape_cast %get3A_483 : vector<16xi32> to vector<16xi32>
      %add3A_485 = arith.constant 1 : i32
      %add3A_486 = vector.broadcast %add3A_485 : i32 to vector<16xi32>
      %add3A_487 = arith.addi %get3A_484, %add3A_486 : vector<16xi32>
      %max3A = arith.constant 0 : i32
      %max3A_488 = vector.broadcast %max3A : i32 to vector<16xi32>
      %max3A_489 = arith.maxsi %add3A_487, %max3A_488 : vector<16xi32>
      %swap3A = arith.index_cast %mul3A_482 : i32 to index
      %swap3A_490 = tpu.vector_load %arg5[%swap3A] {strides = array<i32>} : memref<1280xi32, #tpu.memory_space<vmem>>, vector<16xi32>,
      %swap3A_491 = vector.shape_cast %swap3A_490 : vector<16xi32> to vector<16xi32>
      %swap3A_492 = vector.shape_cast %max3A_489 : vector<16xi32> to vector<16xi32>
      tpu.vector_store %arg5[%swap3A], %swap3A_492 {strides = array<i32>} : memref<1280xi32, #tpu.memory_space<vmem>>, vector<16xi32>,
    }
    %scan3A_330 = arith.constant 80 : i32
    %dma_start3A_331 = arith.constant 0 : i32
    %dma_start3A_332 = arith.constant 0 : i32
    %dma_start3A_333 = tpu.memref_slice %arg3[%dma_start3A_331, %dma_start3A_332] : memref<1000001x32xf32, #tpu.memory_space<hbm>> -> memref<1000001x32xf32, #tpu.memory_space<hbm>>
    tpu.enqueue_indirect_dma source(%dma_start3A_333 : memref<1000001x32xf32, #tpu.memory_space<hbm>>) target(%arg7 : memref<1280x32xf32, #tpu.memory_space<vmem>>) offsets(%arg5 : memref<1280xi32, #tpu.memory_space<vmem>>) semaphore(%arg9 : memref<!tpu.dma_semaphore, #tpu.memory_space<semaphore_mem>>)
    %dma_wait3A_334 = arith.constant 0 : i32
    %dma_wait3A_335 = arith.constant 0 : i32
    %dma_wait3A_336 = tpu.memref_slice %arg3[%dma_wait3A_334, %dma_wait3A_335] : memref<1000001x32xf32, #tpu.memory_space<hbm>> -> memref<1000001x32xf32, #tpu.memory_space<hbm>>
    tpu.wait_indirect_dma semaphore(%arg10 : memref<!tpu.dma_semaphore, #tpu.memory_space<semaphore_mem>>) src(%dma_wait3A_336 : memref<1000001x32xf32, #tpu.memory_space<hbm>>) dst(%arg8 : memref<1280x32xf32, #tpu.memory_space<vmem>>)
    %add3A_337 = arith.constant 16640 : i32
    %add3A_338 = arith.addi %mul3A_2, %add3A_337 : i32
    %dma_start3A_339 = arith.constant 0 : i32
    %dma_start3A_340 = tpu.memref_slice %arg4[%add3A_338, %dma_start3A_339] : memref<819200x128xf32, #tpu.memory_space<hbm>> -> memref<1280x32xf32, #tpu.memory_space<hbm>>
    %dma_start3A_341 = arith.constant 0 : i32
    %dma_start3A_342 = tpu.memref_slice %arg4[%add3A_338, %dma_start3A_341] : memref<819200x128xf32, #tpu.memory_space<hbm>> -> memref<1280x32xf32, #tpu.memory_space<hbm>>
    tpu.enqueue_dma source(%arg8 : memref<1280x32xf32, #tpu.memory_space<vmem>>) target(%dma_start3A_342 : memref<1280x32xf32, #tpu.memory_space<hbm>>) target_semaphore(%arg12 : memref<!tpu.dma_semaphore, #tpu.memory_space<semaphore_mem>>)
    %dma_wait3A_343 = arith.constant 0 : i32
    %dma_wait3A_344 = tpu.memref_slice %arg4[%add3A_338, %dma_wait3A_343] : memref<819200x128xf32, #tpu.memory_space<hbm>> -> memref<1280x32xf32, #tpu.memory_space<hbm>>
    %dma_wait3A_345 = arith.constant 0 : i32
    %dma_wait3A_346 = tpu.memref_slice %arg4[%add3A_338, %dma_wait3A_345] : memref<819200x128xf32, #tpu.memory_space<hbm>> -> memref<1280x32xf32, #tpu.memory_space<hbm>>
    tpu.wait_dma2 semaphore(%arg12 : memref<!tpu.dma_semaphore, #tpu.memory_space<semaphore_mem>>) src(%arg8 : memref<1280x32xf32, #tpu.memory_space<vmem>>) dst(%dma_wait3A_346 : memref<1280x32xf32, #tpu.memory_space<hbm>>)
    %add3A_347 = arith.constant 19200 : i32
    %add3A_348 = arith.addi %mul3A_2, %add3A_347 : i32
    "tpu.region"() ({
      %run_scoped3A = tpu.sem_alloc : memref<!tpu.dma_semaphore, #tpu.memory_space<semaphore_mem>>
      %dma_start3A_480 = tpu.memref_slice %arg2[%add3A_348] : memref<819200xi32, #tpu.memory_space<hbm>> -> memref<1280xi32, #tpu.memory_space<hbm>>
      %dma_start3A_481 = tpu.memref_slice %arg2[%add3A_348] : memref<819200xi32, #tpu.memory_space<hbm>> -> memref<1280xi32, #tpu.memory_space<hbm>>
      tpu.enqueue_dma source(%dma_start3A_481 : memref<1280xi32, #tpu.memory_space<hbm>>) target(%arg6 : memref<1280xi32, #tpu.memory_space<vmem>>) target_semaphore(%run_scoped3A : memref<!tpu.dma_semaphore, #tpu.memory_space<semaphore_mem>>)
      %dma_wait3A_482 = tpu.memref_slice %arg2[%add3A_348] : memref<819200xi32, #tpu.memory_space<hbm>> -> memref<1280xi32, #tpu.memory_space<hbm>>
      %dma_wait3A_483 = tpu.memref_slice %arg2[%add3A_348] : memref<819200xi32, #tpu.memory_space<hbm>> -> memref<1280xi32, #tpu.memory_space<hbm>>
      tpu.wait_dma2 semaphore(%run_scoped3A : memref<!tpu.dma_semaphore, #tpu.memory_space<semaphore_mem>>) src(%dma_wait3A_483 : memref<1280xi32, #tpu.memory_space<hbm>>) dst(%arg6 : memref<1280xi32, #tpu.memory_space<vmem>>)
      tpu.yield
    }) : () -> ()
    %scan3A_349 = arith.constant 0 : i32
    %scan3A_350 = arith.constant 0 : i32
    %scan3A_351 = arith.constant 80 : i32
    %scan3A_352 = arith.addi %scan3A_350, %scan3A_351 : i32
    %scan3A_353 = arith.constant 1 : i32
    scf.for %scan3A_480 = %scan3A_350 to %scan3A_352 step %scan3A_353  : i32 {
      %mul3A_481 = arith.constant 16 : i32
      %mul3A_482 = arith.muli %scan3A_480, %mul3A_481 : i32
      %get3A = arith.index_cast %mul3A_482 : i32 to index
      %get3A_483 = tpu.vector_load %arg6[%get3A] {strides = array<i32>} : memref<1280xi32, #tpu.memory_space<vmem>>, vector<16xi32>,
      %get3A_484 = vector.shape_cast %get3A_483 : vector<16xi32> to vector<16xi32>
      %add3A_485 = arith.constant 1 : i32
      %add3A_486 = vector.broadcast %add3A_485 : i32 to vector<16xi32>
      %add3A_487 = arith.addi %get3A_484, %add3A_486 : vector<16xi32>
      %max3A = arith.constant 0 : i32
      %max3A_488 = vector.broadcast %max3A : i32 to vector<16xi32>
      %max3A_489 = arith.maxsi %add3A_487, %max3A_488 : vector<16xi32>
      %swap3A = arith.index_cast %mul3A_482 : i32 to index
      %swap3A_490 = tpu.vector_load %arg6[%swap3A] {strides = array<i32>} : memref<1280xi32, #tpu.memory_space<vmem>>, vector<16xi32>,
      %swap3A_491 = vector.shape_cast %swap3A_490 : vector<16xi32> to vector<16xi32>
      %swap3A_492 = vector.shape_cast %max3A_489 : vector<16xi32> to vector<16xi32>
      tpu.vector_store %arg6[%swap3A], %swap3A_492 {strides = array<i32>} : memref<1280xi32, #tpu.memory_space<vmem>>, vector<16xi32>,
    }
    %scan3A_354 = arith.constant 80 : i32
    %dma_start3A_355 = arith.constant 0 : i32
    %dma_start3A_356 = arith.constant 0 : i32
    %dma_start3A_357 = tpu.memref_slice %arg3[%dma_start3A_355, %dma_start3A_356] : memref<1000001x32xf32, #tpu.memory_space<hbm>> -> memref<1000001x32xf32, #tpu.memory_space<hbm>>
    tpu.enqueue_indirect_dma source(%dma_start3A_357 : memref<1000001x32xf32, #tpu.memory_space<hbm>>) target(%arg8 : memref<1280x32xf32, #tpu.memory_space<vmem>>) offsets(%arg6 : memref<1280xi32, #tpu.memory_space<vmem>>) semaphore(%arg10 : memref<!tpu.dma_semaphore, #tpu.memory_space<semaphore_mem>>)
    %dma_wait3A_358 = arith.constant 0 : i32
    %dma_wait3A_359 = arith.constant 0 : i32
    %dma_wait3A_360 = tpu.memref_slice %arg3[%dma_wait3A_358, %dma_wait3A_359] : memref<1000001x32xf32, #tpu.memory_space<hbm>> -> memref<1000001x32xf32, #tpu.memory_space<hbm>>
    tpu.wait_indirect_dma semaphore(%arg9 : memref<!tpu.dma_semaphore, #tpu.memory_space<semaphore_mem>>) src(%dma_wait3A_360 : memref<1000001x32xf32, #tpu.memory_space<hbm>>) dst(%arg7 : memref<1280x32xf32, #tpu.memory_space<vmem>>)
    %add3A_361 = arith.constant 17920 : i32
    %add3A_362 = arith.addi %mul3A_2, %add3A_361 : i32
    %dma_start3A_363 = arith.constant 0 : i32
    %dma_start3A_364 = tpu.memref_slice %arg4[%add3A_362, %dma_start3A_363] : memref<819200x128xf32, #tpu.memory_space<hbm>> -> memref<1280x32xf32, #tpu.memory_space<hbm>>
    %dma_start3A_365 = arith.constant 0 : i32
    %dma_start3A_366 = tpu.memref_slice %arg4[%add3A_362, %dma_start3A_365] : memref<819200x128xf32, #tpu.memory_space<hbm>> -> memref<1280x32xf32, #tpu.memory_space<hbm>>
    tpu.enqueue_dma source(%arg7 : memref<1280x32xf32, #tpu.memory_space<vmem>>) target(%dma_start3A_366 : memref<1280x32xf32, #tpu.memory_space<hbm>>) target_semaphore(%arg11 : memref<!tpu.dma_semaphore, #tpu.memory_space<semaphore_mem>>)
    %dma_wait3A_367 = arith.constant 0 : i32
    %dma_wait3A_368 = tpu.memref_slice %arg4[%add3A_362, %dma_wait3A_367] : memref<819200x128xf32, #tpu.memory_space<hbm>> -> memref<1280x32xf32, #tpu.memory_space<hbm>>
    %dma_wait3A_369 = arith.constant 0 : i32
    %dma_wait3A_370 = tpu.memref_slice %arg4[%add3A_362, %dma_wait3A_369] : memref<819200x128xf32, #tpu.memory_space<hbm>> -> memref<1280x32xf32, #tpu.memory_space<hbm>>
    tpu.wait_dma2 semaphore(%arg11 : memref<!tpu.dma_semaphore, #tpu.memory_space<semaphore_mem>>) src(%arg7 : memref<1280x32xf32, #tpu.memory_space<vmem>>) dst(%dma_wait3A_370 : memref<1280x32xf32, #tpu.memory_space<hbm>>)
    %add3A_371 = arith.constant 20480 : i32
    %add3A_372 = arith.addi %mul3A_2, %add3A_371 : i32
    "tpu.region"() ({
      %run_scoped3A = tpu.sem_alloc : memref<!tpu.dma_semaphore, #tpu.memory_space<semaphore_mem>>
      %dma_start3A_480 = tpu.memref_slice %arg2[%add3A_372] : memref<819200xi32, #tpu.memory_space<hbm>> -> memref<1280xi32, #tpu.memory_space<hbm>>
      %dma_start3A_481 = tpu.memref_slice %arg2[%add3A_372] : memref<819200xi32, #tpu.memory_space<hbm>> -> memref<1280xi32, #tpu.memory_space<hbm>>
      tpu.enqueue_dma source(%dma_start3A_481 : memref<1280xi32, #tpu.memory_space<hbm>>) target(%arg5 : memref<1280xi32, #tpu.memory_space<vmem>>) target_semaphore(%run_scoped3A : memref<!tpu.dma_semaphore, #tpu.memory_space<semaphore_mem>>)
      %dma_wait3A_482 = tpu.memref_slice %arg2[%add3A_372] : memref<819200xi32, #tpu.memory_space<hbm>> -> memref<1280xi32, #tpu.memory_space<hbm>>
      %dma_wait3A_483 = tpu.memref_slice %arg2[%add3A_372] : memref<819200xi32, #tpu.memory_space<hbm>> -> memref<1280xi32, #tpu.memory_space<hbm>>
      tpu.wait_dma2 semaphore(%run_scoped3A : memref<!tpu.dma_semaphore, #tpu.memory_space<semaphore_mem>>) src(%dma_wait3A_483 : memref<1280xi32, #tpu.memory_space<hbm>>) dst(%arg5 : memref<1280xi32, #tpu.memory_space<vmem>>)
      tpu.yield
    }) : () -> ()
    %scan3A_373 = arith.constant 0 : i32
    %scan3A_374 = arith.constant 0 : i32
    %scan3A_375 = arith.constant 80 : i32
    %scan3A_376 = arith.addi %scan3A_374, %scan3A_375 : i32
    %scan3A_377 = arith.constant 1 : i32
    scf.for %scan3A_480 = %scan3A_374 to %scan3A_376 step %scan3A_377  : i32 {
      %mul3A_481 = arith.constant 16 : i32
      %mul3A_482 = arith.muli %scan3A_480, %mul3A_481 : i32
      %get3A = arith.index_cast %mul3A_482 : i32 to index
      %get3A_483 = tpu.vector_load %arg5[%get3A] {strides = array<i32>} : memref<1280xi32, #tpu.memory_space<vmem>>, vector<16xi32>,
      %get3A_484 = vector.shape_cast %get3A_483 : vector<16xi32> to vector<16xi32>
      %add3A_485 = arith.constant 1 : i32
      %add3A_486 = vector.broadcast %add3A_485 : i32 to vector<16xi32>
      %add3A_487 = arith.addi %get3A_484, %add3A_486 : vector<16xi32>
      %max3A = arith.constant 0 : i32
      %max3A_488 = vector.broadcast %max3A : i32 to vector<16xi32>
      %max3A_489 = arith.maxsi %add3A_487, %max3A_488 : vector<16xi32>
      %swap3A = arith.index_cast %mul3A_482 : i32 to index
      %swap3A_490 = tpu.vector_load %arg5[%swap3A] {strides = array<i32>} : memref<1280xi32, #tpu.memory_space<vmem>>, vector<16xi32>,
      %swap3A_491 = vector.shape_cast %swap3A_490 : vector<16xi32> to vector<16xi32>
      %swap3A_492 = vector.shape_cast %max3A_489 : vector<16xi32> to vector<16xi32>
      tpu.vector_store %arg5[%swap3A], %swap3A_492 {strides = array<i32>} : memref<1280xi32, #tpu.memory_space<vmem>>, vector<16xi32>,
    }
    %scan3A_378 = arith.constant 80 : i32
    %dma_start3A_379 = arith.constant 0 : i32
    %dma_start3A_380 = arith.constant 0 : i32
    %dma_start3A_381 = tpu.memref_slice %arg3[%dma_start3A_379, %dma_start3A_380] : memref<1000001x32xf32, #tpu.memory_space<hbm>> -> memref<1000001x32xf32, #tpu.memory_space<hbm>>
    tpu.enqueue_indirect_dma source(%dma_start3A_381 : memref<1000001x32xf32, #tpu.memory_space<hbm>>) target(%arg7 : memref<1280x32xf32, #tpu.memory_space<vmem>>) offsets(%arg5 : memref<1280xi32, #tpu.memory_space<vmem>>) semaphore(%arg9 : memref<!tpu.dma_semaphore, #tpu.memory_space<semaphore_mem>>)
    %dma_wait3A_382 = arith.constant 0 : i32
    %dma_wait3A_383 = arith.constant 0 : i32
    %dma_wait3A_384 = tpu.memref_slice %arg3[%dma_wait3A_382, %dma_wait3A_383] : memref<1000001x32xf32, #tpu.memory_space<hbm>> -> memref<1000001x32xf32, #tpu.memory_space<hbm>>
    tpu.wait_indirect_dma semaphore(%arg10 : memref<!tpu.dma_semaphore, #tpu.memory_space<semaphore_mem>>) src(%dma_wait3A_384 : memref<1000001x32xf32, #tpu.memory_space<hbm>>) dst(%arg8 : memref<1280x32xf32, #tpu.memory_space<vmem>>)
    %add3A_385 = arith.constant 19200 : i32
    %add3A_386 = arith.addi %mul3A_2, %add3A_385 : i32
    %dma_start3A_387 = arith.constant 0 : i32
    %dma_start3A_388 = tpu.memref_slice %arg4[%add3A_386, %dma_start3A_387] : memref<819200x128xf32, #tpu.memory_space<hbm>> -> memref<1280x32xf32, #tpu.memory_space<hbm>>
    %dma_start3A_389 = arith.constant 0 : i32
    %dma_start3A_390 = tpu.memref_slice %arg4[%add3A_386, %dma_start3A_389] : memref<819200x128xf32, #tpu.memory_space<hbm>> -> memref<1280x32xf32, #tpu.memory_space<hbm>>
    tpu.enqueue_dma source(%arg8 : memref<1280x32xf32, #tpu.memory_space<vmem>>) target(%dma_start3A_390 : memref<1280x32xf32, #tpu.memory_space<hbm>>) target_semaphore(%arg12 : memref<!tpu.dma_semaphore, #tpu.memory_space<semaphore_mem>>)
    %dma_wait3A_391 = arith.constant 0 : i32
    %dma_wait3A_392 = tpu.memref_slice %arg4[%add3A_386, %dma_wait3A_391] : memref<819200x128xf32, #tpu.memory_space<hbm>> -> memref<1280x32xf32, #tpu.memory_space<hbm>>
    %dma_wait3A_393 = arith.constant 0 : i32
    %dma_wait3A_394 = tpu.memref_slice %arg4[%add3A_386, %dma_wait3A_393] : memref<819200x128xf32, #tpu.memory_space<hbm>> -> memref<1280x32xf32, #tpu.memory_space<hbm>>
    tpu.wait_dma2 semaphore(%arg12 : memref<!tpu.dma_semaphore, #tpu.memory_space<semaphore_mem>>) src(%arg8 : memref<1280x32xf32, #tpu.memory_space<vmem>>) dst(%dma_wait3A_394 : memref<1280x32xf32, #tpu.memory_space<hbm>>)
    %add3A_395 = arith.constant 21760 : i32
    %add3A_396 = arith.addi %mul3A_2, %add3A_395 : i32
    "tpu.region"() ({
      %run_scoped3A = tpu.sem_alloc : memref<!tpu.dma_semaphore, #tpu.memory_space<semaphore_mem>>
      %dma_start3A_480 = tpu.memref_slice %arg2[%add3A_396] : memref<819200xi32, #tpu.memory_space<hbm>> -> memref<1280xi32, #tpu.memory_space<hbm>>
      %dma_start3A_481 = tpu.memref_slice %arg2[%add3A_396] : memref<819200xi32, #tpu.memory_space<hbm>> -> memref<1280xi32, #tpu.memory_space<hbm>>
      tpu.enqueue_dma source(%dma_start3A_481 : memref<1280xi32, #tpu.memory_space<hbm>>) target(%arg6 : memref<1280xi32, #tpu.memory_space<vmem>>) target_semaphore(%run_scoped3A : memref<!tpu.dma_semaphore, #tpu.memory_space<semaphore_mem>>)
      %dma_wait3A_482 = tpu.memref_slice %arg2[%add3A_396] : memref<819200xi32, #tpu.memory_space<hbm>> -> memref<1280xi32, #tpu.memory_space<hbm>>
      %dma_wait3A_483 = tpu.memref_slice %arg2[%add3A_396] : memref<819200xi32, #tpu.memory_space<hbm>> -> memref<1280xi32, #tpu.memory_space<hbm>>
      tpu.wait_dma2 semaphore(%run_scoped3A : memref<!tpu.dma_semaphore, #tpu.memory_space<semaphore_mem>>) src(%dma_wait3A_483 : memref<1280xi32, #tpu.memory_space<hbm>>) dst(%arg6 : memref<1280xi32, #tpu.memory_space<vmem>>)
      tpu.yield
    }) : () -> ()
    %scan3A_397 = arith.constant 0 : i32
    %scan3A_398 = arith.constant 0 : i32
    %scan3A_399 = arith.constant 80 : i32
    %scan3A_400 = arith.addi %scan3A_398, %scan3A_399 : i32
    %scan3A_401 = arith.constant 1 : i32
    scf.for %scan3A_480 = %scan3A_398 to %scan3A_400 step %scan3A_401  : i32 {
      %mul3A_481 = arith.constant 16 : i32
      %mul3A_482 = arith.muli %scan3A_480, %mul3A_481 : i32
      %get3A = arith.index_cast %mul3A_482 : i32 to index
      %get3A_483 = tpu.vector_load %arg6[%get3A] {strides = array<i32>} : memref<1280xi32, #tpu.memory_space<vmem>>, vector<16xi32>,
      %get3A_484 = vector.shape_cast %get3A_483 : vector<16xi32> to vector<16xi32>
      %add3A_485 = arith.constant 1 : i32
      %add3A_486 = vector.broadcast %add3A_485 : i32 to vector<16xi32>
      %add3A_487 = arith.addi %get3A_484, %add3A_486 : vector<16xi32>
      %max3A = arith.constant 0 : i32
      %max3A_488 = vector.broadcast %max3A : i32 to vector<16xi32>
      %max3A_489 = arith.maxsi %add3A_487, %max3A_488 : vector<16xi32>
      %swap3A = arith.index_cast %mul3A_482 : i32 to index
      %swap3A_490 = tpu.vector_load %arg6[%swap3A] {strides = array<i32>} : memref<1280xi32, #tpu.memory_space<vmem>>, vector<16xi32>,
      %swap3A_491 = vector.shape_cast %swap3A_490 : vector<16xi32> to vector<16xi32>
      %swap3A_492 = vector.shape_cast %max3A_489 : vector<16xi32> to vector<16xi32>
      tpu.vector_store %arg6[%swap3A], %swap3A_492 {strides = array<i32>} : memref<1280xi32, #tpu.memory_space<vmem>>, vector<16xi32>,
    }
    %scan3A_402 = arith.constant 80 : i32
    %dma_start3A_403 = arith.constant 0 : i32
    %dma_start3A_404 = arith.constant 0 : i32
    %dma_start3A_405 = tpu.memref_slice %arg3[%dma_start3A_403, %dma_start3A_404] : memref<1000001x32xf32, #tpu.memory_space<hbm>> -> memref<1000001x32xf32, #tpu.memory_space<hbm>>
    tpu.enqueue_indirect_dma source(%dma_start3A_405 : memref<1000001x32xf32, #tpu.memory_space<hbm>>) target(%arg8 : memref<1280x32xf32, #tpu.memory_space<vmem>>) offsets(%arg6 : memref<1280xi32, #tpu.memory_space<vmem>>) semaphore(%arg10 : memref<!tpu.dma_semaphore, #tpu.memory_space<semaphore_mem>>)
    %dma_wait3A_406 = arith.constant 0 : i32
    %dma_wait3A_407 = arith.constant 0 : i32
    %dma_wait3A_408 = tpu.memref_slice %arg3[%dma_wait3A_406, %dma_wait3A_407] : memref<1000001x32xf32, #tpu.memory_space<hbm>> -> memref<1000001x32xf32, #tpu.memory_space<hbm>>
    tpu.wait_indirect_dma semaphore(%arg9 : memref<!tpu.dma_semaphore, #tpu.memory_space<semaphore_mem>>) src(%dma_wait3A_408 : memref<1000001x32xf32, #tpu.memory_space<hbm>>) dst(%arg7 : memref<1280x32xf32, #tpu.memory_space<vmem>>)
    %add3A_409 = arith.constant 20480 : i32
    %add3A_410 = arith.addi %mul3A_2, %add3A_409 : i32
    %dma_start3A_411 = arith.constant 0 : i32
    %dma_start3A_412 = tpu.memref_slice %arg4[%add3A_410, %dma_start3A_411] : memref<819200x128xf32, #tpu.memory_space<hbm>> -> memref<1280x32xf32, #tpu.memory_space<hbm>>
    %dma_start3A_413 = arith.constant 0 : i32
    %dma_start3A_414 = tpu.memref_slice %arg4[%add3A_410, %dma_start3A_413] : memref<819200x128xf32, #tpu.memory_space<hbm>> -> memref<1280x32xf32, #tpu.memory_space<hbm>>
    tpu.enqueue_dma source(%arg7 : memref<1280x32xf32, #tpu.memory_space<vmem>>) target(%dma_start3A_414 : memref<1280x32xf32, #tpu.memory_space<hbm>>) target_semaphore(%arg11 : memref<!tpu.dma_semaphore, #tpu.memory_space<semaphore_mem>>)
    %dma_wait3A_415 = arith.constant 0 : i32
    %dma_wait3A_416 = tpu.memref_slice %arg4[%add3A_410, %dma_wait3A_415] : memref<819200x128xf32, #tpu.memory_space<hbm>> -> memref<1280x32xf32, #tpu.memory_space<hbm>>
    %dma_wait3A_417 = arith.constant 0 : i32
    %dma_wait3A_418 = tpu.memref_slice %arg4[%add3A_410, %dma_wait3A_417] : memref<819200x128xf32, #tpu.memory_space<hbm>> -> memref<1280x32xf32, #tpu.memory_space<hbm>>
    tpu.wait_dma2 semaphore(%arg11 : memref<!tpu.dma_semaphore, #tpu.memory_space<semaphore_mem>>) src(%arg7 : memref<1280x32xf32, #tpu.memory_space<vmem>>) dst(%dma_wait3A_418 : memref<1280x32xf32, #tpu.memory_space<hbm>>)
    %add3A_419 = arith.constant 23040 : i32
    %add3A_420 = arith.addi %mul3A_2, %add3A_419 : i32
    "tpu.region"() ({
      %run_scoped3A = tpu.sem_alloc : memref<!tpu.dma_semaphore, #tpu.memory_space<semaphore_mem>>
      %dma_start3A_480 = tpu.memref_slice %arg2[%add3A_420] : memref<819200xi32, #tpu.memory_space<hbm>> -> memref<1280xi32, #tpu.memory_space<hbm>>
      %dma_start3A_481 = tpu.memref_slice %arg2[%add3A_420] : memref<819200xi32, #tpu.memory_space<hbm>> -> memref<1280xi32, #tpu.memory_space<hbm>>
      tpu.enqueue_dma source(%dma_start3A_481 : memref<1280xi32, #tpu.memory_space<hbm>>) target(%arg5 : memref<1280xi32, #tpu.memory_space<vmem>>) target_semaphore(%run_scoped3A : memref<!tpu.dma_semaphore, #tpu.memory_space<semaphore_mem>>)
      %dma_wait3A_482 = tpu.memref_slice %arg2[%add3A_420] : memref<819200xi32, #tpu.memory_space<hbm>> -> memref<1280xi32, #tpu.memory_space<hbm>>
      %dma_wait3A_483 = tpu.memref_slice %arg2[%add3A_420] : memref<819200xi32, #tpu.memory_space<hbm>> -> memref<1280xi32, #tpu.memory_space<hbm>>
      tpu.wait_dma2 semaphore(%run_scoped3A : memref<!tpu.dma_semaphore, #tpu.memory_space<semaphore_mem>>) src(%dma_wait3A_483 : memref<1280xi32, #tpu.memory_space<hbm>>) dst(%arg5 : memref<1280xi32, #tpu.memory_space<vmem>>)
      tpu.yield
    }) : () -> ()
    %scan3A_421 = arith.constant 0 : i32
    %scan3A_422 = arith.constant 0 : i32
    %scan3A_423 = arith.constant 80 : i32
    %scan3A_424 = arith.addi %scan3A_422, %scan3A_423 : i32
    %scan3A_425 = arith.constant 1 : i32
    scf.for %scan3A_480 = %scan3A_422 to %scan3A_424 step %scan3A_425  : i32 {
      %mul3A_481 = arith.constant 16 : i32
      %mul3A_482 = arith.muli %scan3A_480, %mul3A_481 : i32
      %get3A = arith.index_cast %mul3A_482 : i32 to index
      %get3A_483 = tpu.vector_load %arg5[%get3A] {strides = array<i32>} : memref<1280xi32, #tpu.memory_space<vmem>>, vector<16xi32>,
      %get3A_484 = vector.shape_cast %get3A_483 : vector<16xi32> to vector<16xi32>
      %add3A_485 = arith.constant 1 : i32
      %add3A_486 = vector.broadcast %add3A_485 : i32 to vector<16xi32>
      %add3A_487 = arith.addi %get3A_484, %add3A_486 : vector<16xi32>
      %max3A = arith.constant 0 : i32
      %max3A_488 = vector.broadcast %max3A : i32 to vector<16xi32>
      %max3A_489 = arith.maxsi %add3A_487, %max3A_488 : vector<16xi32>
      %swap3A = arith.index_cast %mul3A_482 : i32 to index
      %swap3A_490 = tpu.vector_load %arg5[%swap3A] {strides = array<i32>} : memref<1280xi32, #tpu.memory_space<vmem>>, vector<16xi32>,
      %swap3A_491 = vector.shape_cast %swap3A_490 : vector<16xi32> to vector<16xi32>
      %swap3A_492 = vector.shape_cast %max3A_489 : vector<16xi32> to vector<16xi32>
      tpu.vector_store %arg5[%swap3A], %swap3A_492 {strides = array<i32>} : memref<1280xi32, #tpu.memory_space<vmem>>, vector<16xi32>,
    }
    %scan3A_426 = arith.constant 80 : i32
    %dma_start3A_427 = arith.constant 0 : i32
    %dma_start3A_428 = arith.constant 0 : i32
    %dma_start3A_429 = tpu.memref_slice %arg3[%dma_start3A_427, %dma_start3A_428] : memref<1000001x32xf32, #tpu.memory_space<hbm>> -> memref<1000001x32xf32, #tpu.memory_space<hbm>>
    tpu.enqueue_indirect_dma source(%dma_start3A_429 : memref<1000001x32xf32, #tpu.memory_space<hbm>>) target(%arg7 : memref<1280x32xf32, #tpu.memory_space<vmem>>) offsets(%arg5 : memref<1280xi32, #tpu.memory_space<vmem>>) semaphore(%arg9 : memref<!tpu.dma_semaphore, #tpu.memory_space<semaphore_mem>>)
    %dma_wait3A_430 = arith.constant 0 : i32
    %dma_wait3A_431 = arith.constant 0 : i32
    %dma_wait3A_432 = tpu.memref_slice %arg3[%dma_wait3A_430, %dma_wait3A_431] : memref<1000001x32xf32, #tpu.memory_space<hbm>> -> memref<1000001x32xf32, #tpu.memory_space<hbm>>
    tpu.wait_indirect_dma semaphore(%arg10 : memref<!tpu.dma_semaphore, #tpu.memory_space<semaphore_mem>>) src(%dma_wait3A_432 : memref<1000001x32xf32, #tpu.memory_space<hbm>>) dst(%arg8 : memref<1280x32xf32, #tpu.memory_space<vmem>>)
    %add3A_433 = arith.constant 21760 : i32
    %add3A_434 = arith.addi %mul3A_2, %add3A_433 : i32
    %dma_start3A_435 = arith.constant 0 : i32
    %dma_start3A_436 = tpu.memref_slice %arg4[%add3A_434, %dma_start3A_435] : memref<819200x128xf32, #tpu.memory_space<hbm>> -> memref<1280x32xf32, #tpu.memory_space<hbm>>
    %dma_start3A_437 = arith.constant 0 : i32
    %dma_start3A_438 = tpu.memref_slice %arg4[%add3A_434, %dma_start3A_437] : memref<819200x128xf32, #tpu.memory_space<hbm>> -> memref<1280x32xf32, #tpu.memory_space<hbm>>
    tpu.enqueue_dma source(%arg8 : memref<1280x32xf32, #tpu.memory_space<vmem>>) target(%dma_start3A_438 : memref<1280x32xf32, #tpu.memory_space<hbm>>) target_semaphore(%arg12 : memref<!tpu.dma_semaphore, #tpu.memory_space<semaphore_mem>>)
    %dma_wait3A_439 = arith.constant 0 : i32
    %dma_wait3A_440 = tpu.memref_slice %arg4[%add3A_434, %dma_wait3A_439] : memref<819200x128xf32, #tpu.memory_space<hbm>> -> memref<1280x32xf32, #tpu.memory_space<hbm>>
    %dma_wait3A_441 = arith.constant 0 : i32
    %dma_wait3A_442 = tpu.memref_slice %arg4[%add3A_434, %dma_wait3A_441] : memref<819200x128xf32, #tpu.memory_space<hbm>> -> memref<1280x32xf32, #tpu.memory_space<hbm>>
    tpu.wait_dma2 semaphore(%arg12 : memref<!tpu.dma_semaphore, #tpu.memory_space<semaphore_mem>>) src(%arg8 : memref<1280x32xf32, #tpu.memory_space<vmem>>) dst(%dma_wait3A_442 : memref<1280x32xf32, #tpu.memory_space<hbm>>)
    %add3A_443 = arith.constant 24320 : i32
    %add3A_444 = arith.addi %mul3A_2, %add3A_443 : i32
    "tpu.region"() ({
      %run_scoped3A = tpu.sem_alloc : memref<!tpu.dma_semaphore, #tpu.memory_space<semaphore_mem>>
      %dma_start3A_480 = tpu.memref_slice %arg2[%add3A_444] : memref<819200xi32, #tpu.memory_space<hbm>> -> memref<1280xi32, #tpu.memory_space<hbm>>
      %dma_start3A_481 = tpu.memref_slice %arg2[%add3A_444] : memref<819200xi32, #tpu.memory_space<hbm>> -> memref<1280xi32, #tpu.memory_space<hbm>>
      tpu.enqueue_dma source(%dma_start3A_481 : memref<1280xi32, #tpu.memory_space<hbm>>) target(%arg6 : memref<1280xi32, #tpu.memory_space<vmem>>) target_semaphore(%run_scoped3A : memref<!tpu.dma_semaphore, #tpu.memory_space<semaphore_mem>>)
      %dma_wait3A_482 = tpu.memref_slice %arg2[%add3A_444] : memref<819200xi32, #tpu.memory_space<hbm>> -> memref<1280xi32, #tpu.memory_space<hbm>>
      %dma_wait3A_483 = tpu.memref_slice %arg2[%add3A_444] : memref<819200xi32, #tpu.memory_space<hbm>> -> memref<1280xi32, #tpu.memory_space<hbm>>
      tpu.wait_dma2 semaphore(%run_scoped3A : memref<!tpu.dma_semaphore, #tpu.memory_space<semaphore_mem>>) src(%dma_wait3A_483 : memref<1280xi32, #tpu.memory_space<hbm>>) dst(%arg6 : memref<1280xi32, #tpu.memory_space<vmem>>)
      tpu.yield
    }) : () -> ()
    %scan3A_445 = arith.constant 0 : i32
    %scan3A_446 = arith.constant 0 : i32
    %scan3A_447 = arith.constant 80 : i32
    %scan3A_448 = arith.addi %scan3A_446, %scan3A_447 : i32
    %scan3A_449 = arith.constant 1 : i32
    scf.for %scan3A_480 = %scan3A_446 to %scan3A_448 step %scan3A_449  : i32 {
      %mul3A_481 = arith.constant 16 : i32
      %mul3A_482 = arith.muli %scan3A_480, %mul3A_481 : i32
      %get3A = arith.index_cast %mul3A_482 : i32 to index
      %get3A_483 = tpu.vector_load %arg6[%get3A] {strides = array<i32>} : memref<1280xi32, #tpu.memory_space<vmem>>, vector<16xi32>,
      %get3A_484 = vector.shape_cast %get3A_483 : vector<16xi32> to vector<16xi32>
      %add3A_485 = arith.constant 1 : i32
      %add3A_486 = vector.broadcast %add3A_485 : i32 to vector<16xi32>
      %add3A_487 = arith.addi %get3A_484, %add3A_486 : vector<16xi32>
      %max3A = arith.constant 0 : i32
      %max3A_488 = vector.broadcast %max3A : i32 to vector<16xi32>
      %max3A_489 = arith.maxsi %add3A_487, %max3A_488 : vector<16xi32>
      %swap3A = arith.index_cast %mul3A_482 : i32 to index
      %swap3A_490 = tpu.vector_load %arg6[%swap3A] {strides = array<i32>} : memref<1280xi32, #tpu.memory_space<vmem>>, vector<16xi32>,
      %swap3A_491 = vector.shape_cast %swap3A_490 : vector<16xi32> to vector<16xi32>
      %swap3A_492 = vector.shape_cast %max3A_489 : vector<16xi32> to vector<16xi32>
      tpu.vector_store %arg6[%swap3A], %swap3A_492 {strides = array<i32>} : memref<1280xi32, #tpu.memory_space<vmem>>, vector<16xi32>,
    }
    %scan3A_450 = arith.constant 80 : i32
    %dma_start3A_451 = arith.constant 0 : i32
    %dma_start3A_452 = arith.constant 0 : i32
    %dma_start3A_453 = tpu.memref_slice %arg3[%dma_start3A_451, %dma_start3A_452] : memref<1000001x32xf32, #tpu.memory_space<hbm>> -> memref<1000001x32xf32, #tpu.memory_space<hbm>>
    tpu.enqueue_indirect_dma source(%dma_start3A_453 : memref<1000001x32xf32, #tpu.memory_space<hbm>>) target(%arg8 : memref<1280x32xf32, #tpu.memory_space<vmem>>) offsets(%arg6 : memref<1280xi32, #tpu.memory_space<vmem>>) semaphore(%arg10 : memref<!tpu.dma_semaphore, #tpu.memory_space<semaphore_mem>>)
    %dma_wait3A_454 = arith.constant 0 : i32
    %dma_wait3A_455 = arith.constant 0 : i32
    %dma_wait3A_456 = tpu.memref_slice %arg3[%dma_wait3A_454, %dma_wait3A_455] : memref<1000001x32xf32, #tpu.memory_space<hbm>> -> memref<1000001x32xf32, #tpu.memory_space<hbm>>
    tpu.wait_indirect_dma semaphore(%arg9 : memref<!tpu.dma_semaphore, #tpu.memory_space<semaphore_mem>>) src(%dma_wait3A_456 : memref<1000001x32xf32, #tpu.memory_space<hbm>>) dst(%arg7 : memref<1280x32xf32, #tpu.memory_space<vmem>>)
    %add3A_457 = arith.constant 23040 : i32
    %add3A_458 = arith.addi %mul3A_2, %add3A_457 : i32
    %dma_start3A_459 = arith.constant 0 : i32
    %dma_start3A_460 = tpu.memref_slice %arg4[%add3A_458, %dma_start3A_459] : memref<819200x128xf32, #tpu.memory_space<hbm>> -> memref<1280x32xf32, #tpu.memory_space<hbm>>
    %dma_start3A_461 = arith.constant 0 : i32
    %dma_start3A_462 = tpu.memref_slice %arg4[%add3A_458, %dma_start3A_461] : memref<819200x128xf32, #tpu.memory_space<hbm>> -> memref<1280x32xf32, #tpu.memory_space<hbm>>
    tpu.enqueue_dma source(%arg7 : memref<1280x32xf32, #tpu.memory_space<vmem>>) target(%dma_start3A_462 : memref<1280x32xf32, #tpu.memory_space<hbm>>) target_semaphore(%arg11 : memref<!tpu.dma_semaphore, #tpu.memory_space<semaphore_mem>>)
    %dma_wait3A_463 = arith.constant 0 : i32
    %dma_wait3A_464 = arith.constant 0 : i32
    %dma_wait3A_465 = tpu.memref_slice %arg3[%dma_wait3A_463, %dma_wait3A_464] : memref<1000001x32xf32, #tpu.memory_space<hbm>> -> memref<1000001x32xf32, #tpu.memory_space<hbm>>
    tpu.wait_indirect_dma semaphore(%arg10 : memref<!tpu.dma_semaphore, #tpu.memory_space<semaphore_mem>>) src(%dma_wait3A_465 : memref<1000001x32xf32, #tpu.memory_space<hbm>>) dst(%arg8 : memref<1280x32xf32, #tpu.memory_space<vmem>>)
    %add3A_466 = arith.constant 24320 : i32
    %add3A_467 = arith.addi %mul3A_2, %add3A_466 : i32
    %dma_start3A_468 = arith.constant 0 : i32
    %dma_start3A_469 = tpu.memref_slice %arg4[%add3A_467, %dma_start3A_468] : memref<819200x128xf32, #tpu.memory_space<hbm>> -> memref<1280x32xf32, #tpu.memory_space<hbm>>
    %dma_start3A_470 = arith.constant 0 : i32
    %dma_start3A_471 = tpu.memref_slice %arg4[%add3A_467, %dma_start3A_470] : memref<819200x128xf32, #tpu.memory_space<hbm>> -> memref<1280x32xf32, #tpu.memory_space<hbm>>
    tpu.enqueue_dma source(%arg8 : memref<1280x32xf32, #tpu.memory_space<vmem>>) target(%dma_start3A_471 : memref<1280x32xf32, #tpu.memory_space<hbm>>) target_semaphore(%arg12 : memref<!tpu.dma_semaphore, #tpu.memory_space<semaphore_mem>>)
    %dma_wait3A_472 = arith.constant 0 : i32
    %dma_wait3A_473 = tpu.memref_slice %arg4[%add3A_458, %dma_wait3A_472] : memref<819200x128xf32, #tpu.memory_space<hbm>> -> memref<1280x32xf32, #tpu.memory_space<hbm>>
    %dma_wait3A_474 = arith.constant 0 : i32
    %dma_wait3A_475 = tpu.memref_slice %arg4[%add3A_458, %dma_wait3A_474] : memref<819200x128xf32, #tpu.memory_space<hbm>> -> memref<1280x32xf32, #tpu.memory_space<hbm>>
    tpu.wait_dma2 semaphore(%arg11 : memref<!tpu.dma_semaphore, #tpu.memory_space<semaphore_mem>>) src(%arg7 : memref<1280x32xf32, #tpu.memory_space<vmem>>) dst(%dma_wait3A_475 : memref<1280x32xf32, #tpu.memory_space<hbm>>)
    %dma_wait3A_476 = arith.constant 0 : i32
    %dma_wait3A_477 = tpu.memref_slice %arg4[%add3A_467, %dma_wait3A_476] : memref<819200x128xf32, #tpu.memory_space<hbm>> -> memref<1280x32xf32, #tpu.memory_space<hbm>>
    %dma_wait3A_478 = arith.constant 0 : i32
    %dma_wait3A_479 = tpu.memref_slice %arg4[%add3A_467, %dma_wait3A_478] : memref<819200x128xf32, #tpu.memory_space<hbm>> -> memref<1280x32xf32, #tpu.memory_space<hbm>>
    tpu.wait_dma2 semaphore(%arg12 : memref<!tpu.dma_semaphore, #tpu.memory_space<semaphore_mem>>) src(%arg8 : memref<1280x32xf32, #tpu.memory_space<vmem>>) dst(%dma_wait3A_479 : memref<1280x32xf32, #tpu.memory_space<hbm>>)
    return
  }
}

</mosaic_0001>

<sc_bundles>
// kernel: kernel.3.cloned.1.call-start
scs
__scs_entry_jumppad:
0x0: {  	(pc) =	sbr.rel $0x88, $3  }
0x1: {  	(tag) =	ssettag $0x0;
	lr =	simm.s32 $0x1  }
0x2: {  	[smem:$0x3F9F] =	sst lr;
	_ =	strace $0xD0000000  }
0x3: {  	_ = 	snop  }
0x4: {  	_ = 	snop  }
0x5: {  	_ = 	snop  }
0x6: {  	_ = 	snop  }
0x7: {  	_ = 	snop  }
__scs_overlays_trampoline_lowered:
0x8: {  	[smem:$0x3FAE] =	sst s0  }
0x9: {  	[smem:$0x3FAF] =	sst s1  }
0xa: {  	[smem:$0x3FB0] =	sst s2  }
0xb: {  	[smem:$0x3FB1] =	sst s3  }
0xc: {  	[smem:$0x3FB2] =	sst s4  }
0xd: {  	[smem:$0x3FB3] =	sst s5  }
0xe: {  	[smem:$0x3FB4] =	sst s6  }
0xf: {  	[smem:$0x3FB5] =	sst s7  }
0x10: {  	[smem:$0x3FB6] =	sst s8  }
0x11: {  	[smem:$0x3FB7] =	sst s9;
	s0 =	simm.s32 @!p0 $0x0  }
0x12: {  	s1 =	sld [smem:$0x3F9D];
	s0 =	simm.s32 @p0 $0x1  }
0x13: {  	[smem:$0x3FB8] =	sst s0;
	s0 =	simm.s32 @!p1 $0x0  }
0x14: {  	s2 =	sld [smem:$0x3F9C];
	s0 =	simm.s32 @p1 $0x1  }
0x15: {  	[smem:$0x3FB9] =	sst s0;
	s0 =	simm.s32 @!p2 $0x0  }
0x16: {  	s3 =	sld [smem:$0x3FDB];
	s0 =	simm.s32 @p2 $0x1  }
0x17: {  	s4 =	simm.s32 $0x1BF5;
	[smem:$0x3FBB] =	sst s0  }
0x18: {  	s0 =	sld [smem:$0x3F9E];
	_ =	swait.ge [sflag:s4], $0x0  }
0x19: {  	s7 =	sld [smem:$0x3F9F]  }
0x1a: {  	s8 =	sadd.s32 $0xFFFFE003, lr  }
0x1b: {  	s9 =	sadd.s32 $0xFFFFFEF7, lr;
	s5 =	simm.s32 $0xFFFFFFFF;
	p2 =	slt.u32 s8, $0xFFFFF086  }
0x1c: {  	p1 =	slt.u32 s9, $0xF7A;
	s5 =	simm.s32 @!p2 $0x0  }
0x1d: {  	s5 =	simm.s32 @p1 $0x1;
	p0 =	seq.s32 s7, s2  }
0x1e: {  	s7 =	smul.u32 @!p0 $0xF7A, s2;
	p2 =	seq.s32 @!p0 s5, $0x0  }
0x1f: {  	s9 =	smul.u32 $0xF7A, s1;
	s8 =	simm.s32 @!p0 $0x1BF5;
	p2 =	por !p2, p0  }
0x20: {  	[sflag:s8] =	ssyncset.s32 @!p0 $0xFFFFF086;
	s6 =	sadd.s32 @!p0 s3, s7;
	s7 =	simm.s32 @!p0 $0x108  }
0x21: {  	s3 =	sadd.s32 s3, s9;
	s6 =	sadd.s32 @!p0 $0x88, s6;
	s7 =	simm.s32 @p2 $0x1082  }
0x22: {  	[simem:s7], [sflag:s8] =	dma.local @!p0 [hbm:s6], $0xF7A  }
0x23: {  	s9 =	sor.u32 $0xD0000000, s2;
	s6 =	simm.s32 $0x108;
	_ =	swait.ge @!p0 [sflag:s8], $0x0  }
0x24: {  	s3 =	sadd.s32 $0x88, s3;
	s6 =	simm.s32 @!p1 $0x1082;
	[sflag:s4] =	ssyncset.s32 $0xFFFFF086  }
0x25: {  	[simem:s6], [sflag:s4] =	dma.local [hbm:s3], $0xF7A  }
0x26: {  	[smem:$0x3F9F] =	sst s1;
	(tag) =	ssettag s2;
	_ =	strace s9  }
0x27: {  	s1 =	sld [smem:$0x3FAF]  }
0x28: {  	s2 =	sld [smem:$0x3FB0]  }
0x29: {  	s4 =	sld [smem:$0x3FB2]  }
0x2a: {  	p0 =	seq.s32 s5, $0x0;
	s5 =	sld [smem:$0x3FB3]  }
0x2b: {  	s6 =	sld [smem:$0x3FB4]  }
0x2c: {  	s7 =	sld [smem:$0x3FB5]  }
0x2d: {  	s3 =	simm.s32 $0x108;
	s8 =	sld [smem:$0x3FB6]  }
0x2e: {  	s3 =	simm.s32 @!p0 $0x1082;
	s9 =	sld [smem:$0x3FB7]  }
0x2f: {  	lr =	sadd.s32 s0, s3;
	s0 =	sld [smem:$0x3FAE]  }
0x30: {  	s3 =	sld [smem:$0x3FB1]  }
0x31: {  	[smem:$0x3FBA] =	sst s10  }
0x32: {  	s10 =	sld [smem:$0x3FB8];
	_ =	sdelay $0x3  }
0x33: {  	p0 =	seq.s32 s10, $0x1;
	s10 =	sld [smem:$0x3FBA];
	_ =	sdelay $0x3  }
0x34: {  	[smem:$0x3FBA] =	sst s10  }
0x35: {  	s10 =	sld [smem:$0x3FB9];
	_ =	sdelay $0x3  }
0x36: {  	p1 =	seq.s32 s10, $0x1;
	s10 =	sld [smem:$0x3FBA];
	_ =	sdelay $0x3  }
0x37: {  	[smem:$0x3FBA] =	sst s10  }
0x38: {  	s10 =	sld [smem:$0x3FBB]  }
0x39: {  	_ = 	snop;
	(pc) =	sbr.ind lr, $3  }
0x3a: {  	_ = 	snop  }
0x3b: {  	_ = 	snop  }
0x3c: {  	p2 =	seq.s32 s10, $0x1;
	s10 =	sld [smem:$0x3FBA]  }
0x3d: {  	_ =	shalt  }
0x3e: {  	_ =	shalt  }
0x3f: {  	_ =	shalt  }
0x40: {  	_ =	shalt  }
0x41: {  	_ =	shalt  }
0x42: {  	_ =	shalt  }
0x43: {  	_ =	shalt  }
0x44: {  	_ =	shalt  }
0x45: {  	_ =	shalt  }
0x46: {  	_ =	shalt  }
0x47: {  	_ =	shalt  }
0x48: {  	_ =	shalt  }
0x49: {  	_ =	shalt  }
0x4a: {  	_ =	shalt  }
0x4b: {  	_ =	shalt  }
0x4c: {  	_ =	shalt  }
0x4d: {  	_ =	shalt  }
0x4e: {  	_ =	shalt  }
0x4f: {  	_ =	shalt  }
0x50: {  	_ =	shalt  }
0x51: {  	_ =	shalt  }
0x52: {  	_ =	shalt  }
0x53: {  	_ =	shalt  }
0x54: {  	_ =	shalt  }
0x55: {  	_ =	shalt  }
0x56: {  	_ =	shalt  }
0x57: {  	_ =	shalt  }
0x58: {  	_ =	shalt  }
0x59: {  	_ =	shalt  }
0x5a: {  	_ =	shalt  }
0x5b: {  	_ =	shalt  }
0x5c: {  	_ =	shalt  }
0x5d: {  	_ =	shalt  }
0x5e: {  	_ =	shalt  }
0x5f: {  	_ =	shalt  }
0x60: {  	_ =	shalt  }
0x61: {  	_ =	shalt  }
0x62: {  	_ =	shalt  }
0x63: {  	_ =	shalt  }
0x64: {  	_ =	shalt  }
0x65: {  	_ =	shalt  }
0x66: {  	_ =	shalt  }
0x67: {  	_ =	shalt  }
0x68: {  	_ =	shalt  }
0x69: {  	_ =	shalt  }
0x6a: {  	_ =	shalt  }
0x6b: {  	_ =	shalt  }
0x6c: {  	_ =	shalt  }
0x6d: {  	_ =	shalt  }
0x6e: {  	_ =	shalt  }
0x6f: {  	_ =	shalt  }
0x70: {  	_ =	shalt  }
0x71: {  	_ =	shalt  }
0x72: {  	_ =	shalt  }
0x73: {  	_ =	shalt  }
0x74: {  	_ =	shalt  }
0x75: {  	_ =	shalt  }
0x76: {  	_ =	shalt  }
0x77: {  	_ =	shalt  }
0x78: {  	_ =	shalt  }
0x79: {  	_ =	shalt  }
0x7a: {  	_ =	shalt  }
0x7b: {  	_ =	shalt  }
0x7c: {  	_ =	shalt  }
0x7d: {  	_ =	shalt  }
0x7e: {  	_ =	shalt  }
0x7f: {  	_ =	shalt  }
0x80: {  	_ =	shalt  }
0x81: {  	_ =	shalt  }
0x82: {  	_ =	shalt  }
0x83: {  	_ =	shalt  }
0x84: {  	_ =	shalt  }
0x85: {  	_ =	shalt  }
0x86: {  	_ =	shalt  }
0x87: {  	_ =	shalt  }
.Lfunc_end0:
.L_simem_size_0:
called_computation_lowered:
.L_overlay_start_0:
0x88: {  	s2 =	sld [smem:$0x3FD9]  }
0x89: {  	s3 =	sld [smem:$0x3FFE];
	_ =	sdelay $0x1  }
0x8a: {  	s1 =	srdreg.scid  }
0x8b: {  	s0 =	sand.u32 $0x1, s1  }
0x8c: {  	s17 =	sshll.u32 s0, $0xA;
	s2 =	sadd.s32 s3, s2  }
0x8d: {  	s2 =	sadd.s32 s2, s17  }
0x8e: {  	[smem:$0x3FC6] =	sst s2  }
0x8f: {  	_ = 	snop  }
0x90: {  	s2 =	sld [smem:$0x3FD0];
	(tm) =	ssettm $0x1  }
0x91: {  	s18 =	sld [smem:$0x3FFB];
	_ =	sdelay $0x3  }
0x92: {  	_ =	strace s18  }
0x93: {  	s3 =	sld [smem:$0x3FFC];
	_ =	sdelay $0x3  }
0x94: {  	_ =	strace s3  }
0x95: {  	s3 =	sld [smem:$0x3FFD];
	_ =	sdelay $0x3  }
0x96: {  	_ =	strace s3  }
0x97: {  	_ =	strace $0x8FFFFFFF  }
0x98: {  	s19 =	sld [smem:$0x3FDB];
	_ =	sdelay $0x1  }
0x99: {  	s4 =	simm.s32 $_scs_section_size  }
0x9a: {  	s5 =	simm.s32 $_size__tile_overlayer_lowered;
	s6 =	simm.s32 $_tile_overlayer_lowered  }
0x9b: {  	s22 =	simm.s32 $0x1BFF;
	s21 =	sshll.u32 s6, $0x1;
	s3 =	sadd.s32 s4, s19  }
0x9c: {  	s7 =	simm.s32 $0x0;
	s20 =	sshll.u32 s5, $0x1;
	s5 =	sadd.s32 s21, s3  }
0x9d: {  	[timem:s7], [sflag:s22] =	dma.local [hbm:s5], s20  }
0x9e: {  	_ =	swait.ge [sflag:s22], s20  }
0x9f: {  	s4 =	ssub.s32 $0x0, s20;
	[sflag:s22] =	ssyncset.done $0x0  }
0xa0: {  	[sflag:s22] =	ssyncadd.s32 s4;
	_ =	sdelay $0x1  }
0xa1: {  	s23 =	simm.s32 $0x1B8B  }
0xa2: {  	_ =	swait.ge [sflag:s23], $0x1  }
0xa3: {  	[sflag:s23] =	ssyncset.done $0x0  }
0xa4: {  	s25 =	simm.s32 $0x1B8E;
	s24 =	sld [smem:$0x3FFE];
	[sflag:s23] =	ssyncadd.s32 $0xFFFFFFFF  }
0xa5: {  	s26 =	simm.s32 $execute0_lowered;
	[smem:$0x3FD2] =	sst s25  }
0xa6: {  	s5 =	sshll.u32 s26, $0x1;
	_ =	strace $0x80000046;
	[dreg:$0x1] =	wrdreg $0xFFFFFFFF  }
0xa7: {  	s28 =	simm.s32 $_size_execute0_lowered;
	s3 =	sadd.s32 s3, s5;
	[dreg:$0x0] =	wrdreg $0x0  }
0xa8: {  	s5 =	sshll.u32 s28, $0x1;
	[dreg:$0x2] =	wrdreg s3  }
0xa9: {  	[dreg:$0x3] =	wrdreg s5  }
0xaa: {  	[dreg:$0x4] =	wrdreg $0xC0  }
0xab: {  	_ =	task [dreg:s7], $0x5FFFF  }
0xac: {  	[dreg:$0x1] =	wrdreg $0xFFFFFFFF  }
0xad: {  	[dreg:$0x0] =	wrdreg $0x60  }
0xae: {  	[dreg:$0x2] =	wrdreg s24  }
0xaf: {  	[dreg:$0x3] =	wrdreg s2  }
0xb0: {  	[dreg:$0x4] =	wrdreg $0x9  }
0xb1: {  	_ =	task.clear_ibuf [dreg:s7], $0x5FFFF;
	_ =	strace $0x90000046  }
0xb2: {  	s29 =	simm.s32 $0x9;
	_ =	strace $0x80000048  }
0xb3: {  	_ =	swait.ge [sflag:s29], $0x1  }
0xb4: {  	[sflag:s29] =	ssyncadd.s32 $0xFFFFFFFF  }
0xb5: {  	_ =	strace $0x90000048  }
0xb6: {  	_ =	sfence  }
0xb7: {  	s30 =	sld [smem:$0x0];
	_ =	sdelay $0x2  }
0xb8: {  	s31 =	sshll.u32 s1, $0xD;
	s1 =	sshrl.u32 s1, $0x2  }
0xb9: {  	s3 =	sand.u32 $0x4000, s31;
	s1 =	sadd.s32 s1, s30  }
0xba: {  	s0 =	sor.u32 s3, s0;
	s1 =	sshll.u32 s1, $0x11  }
0xbb: {  	s0 =	sor.u32 s1, s0  }
0xbc: {  	s0 =	sadd.s32 $0x8F2B, s0  }
0xbd: {  	[sflag:s0] =	ssyncadd.remote.s32 $0x1  }
0xbe: {  	_ =	sfence.sel $0xFFFF  }
0xbf: {  	[dreg:$0x0] =	wrdreg $0xFFFFFFFF;
	(pc) =	sbr.abs _section_cstart, $3  }
0xc0: {  	[dreg:$0x1] =	wrdreg $0xFFFFFFFF  }
0xc1: {  	_ =	task.clear_ibuf [dreg:s7], $0x2FFFF;
	_ =	strace $0x9FFFFFFF  }
0xc2: {  	(tm) =	ssettm $0x7FFFFFFF  }
0xc3: {  	_ =	shalt  }
tec
execute0_lowered:
.L_overlay_start_1:
0x0: {  	(tag) =	ssettag $0x1  }
0x1: {  	s0 =	srdreg.scid;
	s2 =	stileid.u32  }
0x2: {  	s1 =	sand.u32 $0x1, s0;
	s3 =	sshll.u32 s2, $0x1  }
0x3: {  	s2 =	sor.u32 s1, s3  }
0x4: {  	s11 =	rddreg [dreg:$0x0];
	s4 =	simm.s32 $0x0;
	s3 =	smul.u32 $0x6400, s2  }
0x5: {  	[smem:$0x7FF] =	sst s4;
	s0 =	sadd.s32 $0x600, s11  }
0x6: {  	s11 =	sadd.s32 $0xF42C00, s11;
	s1 =	ssub.s32 $0x2, s1;
	s6 =	sadd.s32 $0x500, s3  }
0x7: {  	s4 =	sshrl.u32 s1, $0x1;
	s5 =	sshrl.u32 s3, $0x3;
	s7 =	sshrl.u32 s6, $0x3  }
0x8: {  	s12 =	ssub.s32 s1, s4;
	s5 =	sadd.s32 s0, s5;
	s1 =	sadd.s32 s0, s7  }
0x9: {  	[dreg:$0x4] =	wrdreg s1;
	s1 =	smul.u32 $0x64000, s2;
	s2 =	sadd.s32 $0xA00, s3  }
0xa: {  	[dreg:$0x3] =	wrdreg s5;
	s5 =	sadd.s32 $0xF00, s3;
	s8 =	sshrl.u32 s2, $0x3  }
0xb: {  	s7 =	sadd.s32 $0x1400, s3;
	s9 =	sshrl.u32 s5, $0x3;
	s4 =	sadd.s32 s0, s8  }
0xc: {  	s8 =	sshrl.u32 s7, $0x3;
	[dreg:$0x5] =	wrdreg s4;
	s4 =	sadd.s32 s0, s9  }
0xd: {  	s10 =	sadd.s32 s0, s8;
	[dreg:$0x6] =	wrdreg s4;
	s4 =	sadd.s32 $0x1900, s3  }
0xe: {  	s9 =	sadd.s32 $0x1E00, s3;
	[dreg:$0x7] =	wrdreg s10;
	s13 =	sshrl.u32 s4, $0x3  }
0xf: {  	s10 =	sadd.s32 $0x2300, s3;
	s14 =	sshrl.u32 s9, $0x3;
	s8 =	sadd.s32 s0, s13  }
0x10: {  	s13 =	sshrl.u32 s10, $0x3;
	[dreg:$0x8] =	wrdreg s8;
	s8 =	sadd.s32 s0, s14  }
0x11: {  	s12 =	smax.u32 s12, $0x1;
	s15 =	sadd.s32 s0, s13;
	[dreg:$0x9] =	wrdreg s8  }
0x12: {  	s14 =	sadd.s32 $0x2D00, s3;
	[dreg:$0xa] =	wrdreg s15;
	s8 =	sadd.s32 $0x2800, s3  }
0x13: {  	s15 =	sadd.s32 $0x3200, s3;
	s17 =	sshrl.u32 s14, $0x3;
	s16 =	sshrl.u32 s8, $0x3  }
0x14: {  	s8 =	sshll.u32 s8, $0x4;
	s13 =	sadd.s32 s0, s16;
	s16 =	sshrl.u32 s15, $0x3  }
0x15: {  	[dreg:$0xb] =	wrdreg s13;
	s13 =	sadd.s32 s0, s17;
	s18 =	sadd.s32 s0, s16  }
0x16: {  	s17 =	sadd.s32 $0x3C00, s3;
	[dreg:$0xc] =	wrdreg s13;
	s13 =	sadd.s32 $0x3700, s3  }
0x17: {  	[dreg:$0xd] =	wrdreg s18;
	s18 =	sadd.s32 $0x4100, s3;
	s19 =	sshrl.u32 s13, $0x3  }
0x18: {  	s20 =	sshrl.u32 s17, $0x3;
	s13 =	sshll.u32 s13, $0x4;
	s16 =	sadd.s32 s0, s19  }
0x19: {  	s19 =	sshrl.u32 s18, $0x3;
	[dreg:$0xe] =	wrdreg s16;
	s16 =	sadd.s32 s0, s20  }
0x1a: {  	s21 =	sadd.s32 s0, s19;
	[dreg:$0xf] =	wrdreg s16;
	s16 =	sadd.s32 $0x4600, s3  }
0x1b: {  	s20 =	sadd.s32 $0x4B00, s3;
	[dreg:$0x10] =	wrdreg s21;
	s22 =	sshrl.u32 s16, $0x3  }
0x1c: {  	s21 =	sadd.s32 $0x5000, s3;
	s23 =	sshrl.u32 s20, $0x3;
	s19 =	sadd.s32 s0, s22  }
0x1d: {  	s22 =	sshrl.u32 s21, $0x3;
	[dreg:$0x11] =	wrdreg s19;
	s19 =	sadd.s32 s0, s23  }
0x1e: {  	s24 =	sadd.s32 s0, s22;
	s22 =	sadd.s32 $0x5A00, s3;
	[dreg:$0x12] =	wrdreg s19  }
0x1f: {  	s23 =	sadd.s32 $0x5F00, s3;
	[dreg:$0x13] =	wrdreg s24;
	s19 =	sadd.s32 $0x5500, s3  }
0x20: {  	s26 =	sshrl.u32 s22, $0x3;
	s24 =	sshrl.u32 s23, $0x3;
	s25 =	sshrl.u32 s19, $0x3  }
0x21: {  	s22 =	sshll.u32 s22, $0x4;
	s3 =	sadd.s32 s0, s25;
	s25 =	sshll.u32 s6, $0x4  }
0x22: {  	s6 =	sshll.u32 s9, $0x4;
	s9 =	sshll.u32 s14, $0x4;
	s14 =	sshll.u32 s17, $0x4  }
0x23: {  	s17 =	sshll.u32 s16, $0x4;
	s16 =	simm.s32 $0xAA00;
	[dreg:$0x14] =	wrdreg s3  }
0x24: {  	s3 =	sadd.s32 s0, s26;
	s0 =	sadd.s32 s0, s24;
	s24 =	rddreg [dreg:$0x1]  }
0x25: {  	s26 =	sshll.u32 s2, $0x4;
	s2 =	sshll.u32 s5, $0x4;
	[dreg:$0x15] =	wrdreg s3  }
0x26: {  	s5 =	sshll.u32 s4, $0x4;
	[dreg:$0x16] =	wrdreg s0;
	s3 =	sadd.s32 s24, s1  }
0x27: {  	s0 =	sadd.s32 s24, s25;
	s1 =	sadd.s32 s24, s26;
	s28 =	sadd.s32 s24, s5  }
0x28: {  	s29 =	sadd.s32 s24, s6;
	s31 =	sadd.s32 s24, s8;
	[dreg:$0x17] =	wrdreg s3  }
0x29: {  	s5 =	sadd.s32 s24, s17;
	s25 =	sshll.u32 s23, $0x4;
	[dreg:$0x18] =	wrdreg s0  }
0x2a: {  	s17 =	simm.s32 $0x1;
	s23 =	simm.s32 $0x0;
	[dreg:$0x19] =	wrdreg s1  }
0x2b: {  	s0 =	sadd.s32 s24, s2;
	s3 =	sshll.u32 s7, $0x4;
	s7 =	sshll.u32 s10, $0x4  }
0x2c: {  	s10 =	sshll.u32 s15, $0x4;
	s2 =	sadd.s32 s24, s13;
	s15 =	sshll.u32 s18, $0x4  }
0x2d: {  	s18 =	sshll.u32 s20, $0x4;
	s20 =	sshll.u32 s21, $0x4;
	s21 =	sshll.u32 s19, $0x4  }
0x2e: {  	s13 =	simm.s32 $0x5;
	s19 =	simm.s32 $0x80;
	[dreg:$0x1a] =	wrdreg s0  }
0x2f: {  	s26 =	sadd.s32 s24, s3;
	s30 =	sadd.s32 s24, s7;
	s0 =	sadd.s32 s24, s9  }
0x30: {  	s1 =	sadd.s32 s24, s10;
	s3 =	sadd.s32 s24, s14;
	s4 =	sadd.s32 s24, s15  }
0x31: {  	s6 =	sadd.s32 s24, s18;
	s7 =	sadd.s32 s24, s20;
	s8 =	sadd.s32 s24, s21  }
0x32: {  	s9 =	sadd.s32 s24, s22;
	s10 =	sadd.s32 s24, s25;
	s14 =	simm.s32 $0x500  }
0x33: {  	s15 =	simm.s32 $0xA00;
	s18 =	simm.s32 $0x20;
	s20 =	simm.s32 $0x3  }
0x34: {  	s21 =	simm.s32 $0x2;
	s22 =	simm.s32 $0x4;
	_ =	strace $0x80000047  }
.LBB2_1:
0x35: {  	s24 =	simm.s32 $0x0;
	s25 =	rddreg [dreg:$0x3]  }
0x36: {  	[tilespmem:s24], [sflag:$0x5] =	stream.linear.gather [hbm4b:s25+s24], $0x500, $0x38;
	[tilespmem:$0x14A00] =	vst v63  }
0x37: {  	_ =	swait.ge [sflag:s13], $0x500  }
0x38: {  	[sflag:s13] =	ssyncset.done $0x0  }
0x39: {  	s24 =	simm.s32 $0x0;
	s25 =	simm.s32 $0x40;
	[sflag:s13] =	ssyncadd.s32 $0xFFFFFB00  }
.LBB2_2:
0x3a: {  	p0 =	sne.s32 s25, $0x13C0;
	v0 =	vld [tilespmem:s24+$0x0];
	_ =	sdelay $0x3  }
.Ltmp0:
0x3b: {  	(pc) =	sbr.rel @p0 .LBB2_2-.Ltmp0, $4  }
0x3c: {  	v0 =	vadd.s32 $0x1, v0  }
0x3d: {  	vm0 =	vgt.s32 v0, $0x0  }
0x3e: {  	v0 =	vnsel vm0, $0x0, v0  }
0x3f: {  	[tilespmem:s24+$0x0] =	vst v0;
	s24 =	sshra.s32 s25, $0x2;
	s25 =	sadd.s32 $0x40, s25  }
0x40: {  	v0 =	vld [tilespmem:s24+$0x0];
	_ =	sdelay $0x4  }
0x41: {  	v0 =	vadd.s32 $0x1, v0  }
0x42: {  	vm0 =	vgt.s32 v0, $0x0  }
0x43: {  	v0 =	vnsel vm0, $0x0, v0  }
0x44: {  	[tilespmem:s24+$0x0] =	vst v0;
	s24 =	simm.s32 $0x0  }
0x45: {  	[tilespmem:s15], [sflag:$0x1] =	stream.indirect.gather [hbm4b:s11+s14], $0x20, s24, s14, $0xb8;
	[tilespmem:$0x14A00] =	vst v63  }
0x46: {  	s25 =	rddreg [dreg:$0x4]  }
0x47: {  	[tilespmem:s14], [sflag:$0x5] =	stream.linear.gather [hbm4b:s25+s24], $0x500, $0x38;
	[tilespmem:$0x14A00] =	vst v63  }
0x48: {  	_ =	swait.ge [sflag:s13], $0x500  }
0x49: {  	[sflag:s13] =	ssyncset.done $0x0  }
0x4a: {  	s24 =	simm.s32 $0x0;
	s25 =	simm.s32 $0x40;
	[sflag:s13] =	ssyncadd.s32 $0xFFFFFB00  }
.LBB2_4:
0x4b: {  	p0 =	sne.s32 s25, $0x13C0;
	v0 =	vld [tilespmem:s24+$0x500];
	_ =	sdelay $0x3  }
.Ltmp1:
0x4c: {  	(pc) =	sbr.rel @p0 .LBB2_4-.Ltmp1, $4  }
0x4d: {  	v0 =	vadd.s32 $0x1, v0  }
0x4e: {  	vm0 =	vgt.s32 v0, $0x0  }
0x4f: {  	v0 =	vnsel vm0, $0x0, v0  }
0x50: {  	[tilespmem:s24+$0x500] =	vst v0;
	s24 =	sshra.s32 s25, $0x2;
	s25 =	sadd.s32 $0x40, s25  }
0x51: {  	v0 =	vld [tilespmem:s24+$0x500];
	_ =	sdelay $0x4  }
0x52: {  	v0 =	vadd.s32 $0x1, v0  }
0x53: {  	vm0 =	vgt.s32 v0, $0x0  }
0x54: {  	v0 =	vnsel vm0, $0x0, v0  }
0x55: {  	[tilespmem:s24+$0x500] =	vst v0  }
0x56: {  	[tilespmem:s16], [sflag:$0x2] =	stream.indirect.gather [hbm4b:s11+s14], $0x20, s14, s14, $0xb8;
	[tilespmem:$0x14A00] =	vst v63  }
0x57: {  	_ =	swait.ge [sflag:s17], $0xA000  }
0x58: {  	[sflag:s17] =	ssyncset.done $0x0  }
0x59: {  	s25 =	rddreg [dreg:$0x17];
	[sflag:s17] =	ssyncadd.s32 $0xFFFF6000  }
0x5a: {  	[hbm4b:s25+s18] =	stream.strided.scatter [tilespmem:s15], [sflag:$0x3], $0xA000, s19, s18, $0x38;
	[tilespmem:$0x14A00] =	vst v63  }
0x5b: {  	_ =	swait.ge [sflag:s20], $0xA000  }
0x5c: {  	[sflag:s20] =	ssyncset.done $0x0  }
0x5d: {  	s24 =	simm.s32 $0x0;
	s25 =	rddreg [dreg:$0x5];
	[sflag:s20] =	ssyncadd.s32 $0xFFFF6000  }
0x5e: {  	[tilespmem:s24], [sflag:$0x5] =	stream.linear.gather [hbm4b:s25+s24], $0x500, $0x38;
	[tilespmem:$0x14A00] =	vst v63  }
0x5f: {  	_ =	swait.ge [sflag:s13], $0x500  }
0x60: {  	[sflag:s13] =	ssyncset.done $0x0  }
0x61: {  	s24 =	simm.s32 $0x0;
	s25 =	simm.s32 $0x40;
	[sflag:s13] =	ssyncadd.s32 $0xFFFFFB00  }
.LBB2_6:
0x62: {  	p0 =	sne.s32 s25, $0x13C0;
	v0 =	vld [tilespmem:s24+$0x0];
	_ =	sdelay $0x3  }
.Ltmp2:
0x63: {  	(pc) =	sbr.rel @p0 .LBB2_6-.Ltmp2, $4  }
0x64: {  	v0 =	vadd.s32 $0x1, v0  }
0x65: {  	vm0 =	vgt.s32 v0, $0x0  }
0x66: {  	v0 =	vnsel vm0, $0x0, v0  }
0x67: {  	[tilespmem:s24+$0x0] =	vst v0;
	s24 =	sshra.s32 s25, $0x2;
	s25 =	sadd.s32 $0x40, s25  }
0x68: {  	v0 =	vld [tilespmem:s24+$0x0];
	_ =	sdelay $0x4  }
0x69: {  	v0 =	vadd.s32 $0x1, v0  }
0x6a: {  	vm0 =	vgt.s32 v0, $0x0  }
0x6b: {  	v0 =	vnsel vm0, $0x0, v0  }
0x6c: {  	[tilespmem:s24+$0x0] =	vst v0;
	s24 =	simm.s32 $0x0  }
0x6d: {  	[tilespmem:s15], [sflag:$0x1] =	stream.indirect.gather [hbm4b:s11+s14], $0x20, s24, s14, $0xb8;
	[tilespmem:$0x14A00] =	vst v63  }
0x6e: {  	_ =	swait.ge [sflag:s21], $0xA000  }
0x6f: {  	[sflag:s21] =	ssyncset.done $0x0  }
0x70: {  	s25 =	rddreg [dreg:$0x18];
	[sflag:s21] =	ssyncadd.s32 $0xFFFF6000  }
0x71: {  	[hbm4b:s25+s18] =	stream.strided.scatter [tilespmem:s16], [sflag:$0x4], $0xA000, s19, s18, $0x38;
	[tilespmem:$0x14A00] =	vst v63  }
0x72: {  	_ =	swait.ge [sflag:s22], $0xA000  }
0x73: {  	[sflag:s22] =	ssyncset.done $0x0  }
0x74: {  	s25 =	rddreg [dreg:$0x6];
	[sflag:s22] =	ssyncadd.s32 $0xFFFF6000  }
0x75: {  	[tilespmem:s14], [sflag:$0x5] =	stream.linear.gather [hbm4b:s25+s24], $0x500, $0x38;
	[tilespmem:$0x14A00] =	vst v63  }
0x76: {  	_ =	swait.ge [sflag:s13], $0x500  }
0x77: {  	[sflag:s13] =	ssyncset.done $0x0  }
0x78: {  	s24 =	simm.s32 $0x0;
	s25 =	simm.s32 $0x40;
	[sflag:s13] =	ssyncadd.s32 $0xFFFFFB00  }
.LBB2_8:
0x79: {  	p0 =	sne.s32 s25, $0x13C0;
	v0 =	vld [tilespmem:s24+$0x500];
	_ =	sdelay $0x3  }
.Ltmp3:
0x7a: {  	(pc) =	sbr.rel @p0 .LBB2_8-.Ltmp3, $4  }
0x7b: {  	v0 =	vadd.s32 $0x1, v0  }
0x7c: {  	vm0 =	vgt.s32 v0, $0x0  }
0x7d: {  	v0 =	vnsel vm0, $0x0, v0  }
0x7e: {  	[tilespmem:s24+$0x500] =	vst v0;
	s24 =	sshra.s32 s25, $0x2;
	s25 =	sadd.s32 $0x40, s25  }
0x7f: {  	v0 =	vld [tilespmem:s24+$0x500];
	_ =	sdelay $0x4  }
0x80: {  	v0 =	vadd.s32 $0x1, v0  }
0x81: {  	vm0 =	vgt.s32 v0, $0x0  }
0x82: {  	v0 =	vnsel vm0, $0x0, v0  }
0x83: {  	[tilespmem:s24+$0x500] =	vst v0  }
0x84: {  	[tilespmem:s16], [sflag:$0x2] =	stream.indirect.gather [hbm4b:s11+s14], $0x20, s14, s14, $0xb8;
	[tilespmem:$0x14A00] =	vst v63  }
0x85: {  	_ =	swait.ge [sflag:s17], $0xA000  }
0x86: {  	[sflag:s17] =	ssyncset.done $0x0  }
0x87: {  	s25 =	rddreg [dreg:$0x19];
	[sflag:s17] =	ssyncadd.s32 $0xFFFF6000  }
0x88: {  	[hbm4b:s25+s18] =	stream.strided.scatter [tilespmem:s15], [sflag:$0x3], $0xA000, s19, s18, $0x38;
	[tilespmem:$0x14A00] =	vst v63  }
0x89: {  	_ =	swait.ge [sflag:s20], $0xA000  }
0x8a: {  	[sflag:s20] =	ssyncset.done $0x0  }
0x8b: {  	s24 =	simm.s32 $0x0;
	s25 =	rddreg [dreg:$0x7];
	[sflag:s20] =	ssyncadd.s32 $0xFFFF6000  }
0x8c: {  	[tilespmem:s24], [sflag:$0x5] =	stream.linear.gather [hbm4b:s25+s24], $0x500, $0x38;
	[tilespmem:$0x14A00] =	vst v63  }
0x8d: {  	_ =	swait.ge [sflag:s13], $0x500  }
0x8e: {  	[sflag:s13] =	ssyncset.done $0x0  }
0x8f: {  	s24 =	simm.s32 $0x0;
	s25 =	simm.s32 $0x40;
	[sflag:s13] =	ssyncadd.s32 $0xFFFFFB00  }
.LBB2_10:
0x90: {  	p0 =	sne.s32 s25, $0x13C0;
	v0 =	vld [tilespmem:s24+$0x0];
	_ =	sdelay $0x3  }
.Ltmp4:
0x91: {  	(pc) =	sbr.rel @p0 .LBB2_10-.Ltmp4, $4  }
0x92: {  	v0 =	vadd.s32 $0x1, v0  }
0x93: {  	vm0 =	vgt.s32 v0, $0x0  }
0x94: {  	v0 =	vnsel vm0, $0x0, v0  }
0x95: {  	[tilespmem:s24+$0x0] =	vst v0;
	s24 =	sshra.s32 s25, $0x2;
	s25 =	sadd.s32 $0x40, s25  }
0x96: {  	v0 =	vld [tilespmem:s24+$0x0];
	_ =	sdelay $0x4  }
0x97: {  	v0 =	vadd.s32 $0x1, v0  }
0x98: {  	vm0 =	vgt.s32 v0, $0x0  }
0x99: {  	v0 =	vnsel vm0, $0x0, v0  }
0x9a: {  	[tilespmem:s24+$0x0] =	vst v0;
	s24 =	simm.s32 $0x0  }
0x9b: {  	[tilespmem:s15], [sflag:$0x1] =	stream.indirect.gather [hbm4b:s11+s14], $0x20, s24, s14, $0xb8;
	[tilespmem:$0x14A00] =	vst v63  }
0x9c: {  	_ =	swait.ge [sflag:s21], $0xA000  }
0x9d: {  	[sflag:s21] =	ssyncset.done $0x0  }
0x9e: {  	s25 =	rddreg [dreg:$0x1a];
	[sflag:s21] =	ssyncadd.s32 $0xFFFF6000  }
0x9f: {  	[hbm4b:s25+s18] =	stream.strided.scatter [tilespmem:s16], [sflag:$0x4], $0xA000, s19, s18, $0x38;
	[tilespmem:$0x14A00] =	vst v63  }
0xa0: {  	_ =	swait.ge [sflag:s22], $0xA000  }
0xa1: {  	[sflag:s22] =	ssyncset.done $0x0  }
0xa2: {  	s25 =	rddreg [dreg:$0x8];
	[sflag:s22] =	ssyncadd.s32 $0xFFFF6000  }
0xa3: {  	[tilespmem:s14], [sflag:$0x5] =	stream.linear.gather [hbm4b:s25+s24], $0x500, $0x38;
	[tilespmem:$0x14A00] =	vst v63  }
0xa4: {  	_ =	swait.ge [sflag:s13], $0x500  }
0xa5: {  	[sflag:s13] =	ssyncset.done $0x0  }
0xa6: {  	s24 =	simm.s32 $0x0;
	s25 =	simm.s32 $0x40;
	[sflag:s13] =	ssyncadd.s32 $0xFFFFFB00  }
.LBB2_12:
0xa7: {  	p0 =	sne.s32 s25, $0x13C0;
	v0 =	vld [tilespmem:s24+$0x500];
	_ =	sdelay $0x3  }
.Ltmp5:
0xa8: {  	(pc) =	sbr.rel @p0 .LBB2_12-.Ltmp5, $4  }
0xa9: {  	v0 =	vadd.s32 $0x1, v0  }
0xaa: {  	vm0 =	vgt.s32 v0, $0x0  }
0xab: {  	v0 =	vnsel vm0, $0x0, v0  }
0xac: {  	[tilespmem:s24+$0x500] =	vst v0;
	s24 =	sshra.s32 s25, $0x2;
	s25 =	sadd.s32 $0x40, s25  }
0xad: {  	v0 =	vld [tilespmem:s24+$0x500];
	_ =	sdelay $0x4  }
0xae: {  	v0 =	vadd.s32 $0x1, v0  }
0xaf: {  	vm0 =	vgt.s32 v0, $0x0  }
0xb0: {  	v0 =	vnsel vm0, $0x0, v0  }
0xb1: {  	[tilespmem:s24+$0x500] =	vst v0  }
0xb2: {  	[tilespmem:s16], [sflag:$0x2] =	stream.indirect.gather [hbm4b:s11+s14], $0x20, s14, s14, $0xb8;
	[tilespmem:$0x14A00] =	vst v63  }
0xb3: {  	_ =	swait.ge [sflag:s17], $0xA000  }
0xb4: {  	[sflag:s17] =	ssyncset.done $0x0  }
0xb5: {  	[sflag:s17] =	ssyncadd.s32 $0xFFFF6000  }
0xb6: {  	[hbm4b:s26+s18] =	stream.strided.scatter [tilespmem:s15], [sflag:$0x3], $0xA000, s19, s18, $0x38;
	[tilespmem:$0x14A00] =	vst v63  }
0xb7: {  	_ =	swait.ge [sflag:s20], $0xA000  }
0xb8: {  	[sflag:s20] =	ssyncset.done $0x0  }
0xb9: {  	s24 =	simm.s32 $0x0;
	s25 =	rddreg [dreg:$0x9];
	[sflag:s20] =	ssyncadd.s32 $0xFFFF6000  }
0xba: {  	[tilespmem:s24], [sflag:$0x5] =	stream.linear.gather [hbm4b:s25+s24], $0x500, $0x38;
	[tilespmem:$0x14A00] =	vst v63  }
0xbb: {  	_ =	swait.ge [sflag:s13], $0x500  }
0xbc: {  	[sflag:s13] =	ssyncset.done $0x0  }
0xbd: {  	s24 =	simm.s32 $0x0;
	s25 =	simm.s32 $0x40;
	[sflag:s13] =	ssyncadd.s32 $0xFFFFFB00  }
.LBB2_14:
0xbe: {  	p0 =	sne.s32 s25, $0x13C0;
	v0 =	vld [tilespmem:s24+$0x0];
	_ =	sdelay $0x3  }
.Ltmp6:
0xbf: {  	(pc) =	sbr.rel @p0 .LBB2_14-.Ltmp6, $4  }
0xc0: {  	v0 =	vadd.s32 $0x1, v0  }
0xc1: {  	vm0 =	vgt.s32 v0, $0x0  }
0xc2: {  	v0 =	vnsel vm0, $0x0, v0  }
0xc3: {  	[tilespmem:s24+$0x0] =	vst v0;
	s24 =	sshra.s32 s25, $0x2;
	s25 =	sadd.s32 $0x40, s25  }
0xc4: {  	v0 =	vld [tilespmem:s24+$0x0];
	_ =	sdelay $0x4  }
0xc5: {  	v0 =	vadd.s32 $0x1, v0  }
0xc6: {  	vm0 =	vgt.s32 v0, $0x0  }
0xc7: {  	v0 =	vnsel vm0, $0x0, v0  }
0xc8: {  	[tilespmem:s24+$0x0] =	vst v0;
	s24 =	simm.s32 $0x0  }
0xc9: {  	[tilespmem:s15], [sflag:$0x1] =	stream.indirect.gather [hbm4b:s11+s14], $0x20, s24, s14, $0xb8;
	[tilespmem:$0x14A00] =	vst v63  }
0xca: {  	_ =	swait.ge [sflag:s21], $0xA000  }
0xcb: {  	[sflag:s21] =	ssyncset.done $0x0  }
0xcc: {  	[sflag:s21] =	ssyncadd.s32 $0xFFFF6000  }
0xcd: {  	[hbm4b:s28+s18] =	stream.strided.scatter [tilespmem:s16], [sflag:$0x4], $0xA000, s19, s18, $0x38;
	[tilespmem:$0x14A00] =	vst v63  }
0xce: {  	_ =	swait.ge [sflag:s22], $0xA000  }
0xcf: {  	[sflag:s22] =	ssyncset.done $0x0  }
0xd0: {  	s25 =	rddreg [dreg:$0xa];
	[sflag:s22] =	ssyncadd.s32 $0xFFFF6000  }
0xd1: {  	[tilespmem:s14], [sflag:$0x5] =	stream.linear.gather [hbm4b:s25+s24], $0x500, $0x38;
	[tilespmem:$0x14A00] =	vst v63  }
0xd2: {  	_ =	swait.ge [sflag:s13], $0x500  }
0xd3: {  	[sflag:s13] =	ssyncset.done $0x0  }
0xd4: {  	s24 =	simm.s32 $0x0;
	s25 =	simm.s32 $0x40;
	[sflag:s13] =	ssyncadd.s32 $0xFFFFFB00  }
.LBB2_16:
0xd5: {  	p0 =	sne.s32 s25, $0x13C0;
	v0 =	vld [tilespmem:s24+$0x500];
	_ =	sdelay $0x3  }
.Ltmp7:
0xd6: {  	(pc) =	sbr.rel @p0 .LBB2_16-.Ltmp7, $4  }
0xd7: {  	v0 =	vadd.s32 $0x1, v0  }
0xd8: {  	vm0 =	vgt.s32 v0, $0x0  }
0xd9: {  	v0 =	vnsel vm0, $0x0, v0  }
0xda: {  	[tilespmem:s24+$0x500] =	vst v0;
	s24 =	sshra.s32 s25, $0x2;
	s25 =	sadd.s32 $0x40, s25  }
0xdb: {  	v0 =	vld [tilespmem:s24+$0x500];
	_ =	sdelay $0x4  }
0xdc: {  	v0 =	vadd.s32 $0x1, v0  }
0xdd: {  	vm0 =	vgt.s32 v0, $0x0  }
0xde: {  	v0 =	vnsel vm0, $0x0, v0  }
0xdf: {  	[tilespmem:s24+$0x500] =	vst v0  }
0xe0: {  	[tilespmem:s16], [sflag:$0x2] =	stream.indirect.gather [hbm4b:s11+s14], $0x20, s14, s14, $0xb8;
	[tilespmem:$0x14A00] =	vst v63  }
0xe1: {  	_ =	swait.ge [sflag:s17], $0xA000  }
0xe2: {  	[sflag:s17] =	ssyncset.done $0x0  }
0xe3: {  	[sflag:s17] =	ssyncadd.s32 $0xFFFF6000  }
0xe4: {  	[hbm4b:s29+s18] =	stream.strided.scatter [tilespmem:s15], [sflag:$0x3], $0xA000, s19, s18, $0x38;
	[tilespmem:$0x14A00] =	vst v63  }
0xe5: {  	_ =	swait.ge [sflag:s20], $0xA000  }
0xe6: {  	[sflag:s20] =	ssyncset.done $0x0  }
0xe7: {  	s24 =	simm.s32 $0x0;
	s25 =	rddreg [dreg:$0xb];
	[sflag:s20] =	ssyncadd.s32 $0xFFFF6000  }
0xe8: {  	[tilespmem:s24], [sflag:$0x5] =	stream.linear.gather [hbm4b:s25+s24], $0x500, $0x38;
	[tilespmem:$0x14A00] =	vst v63  }
0xe9: {  	_ =	swait.ge [sflag:s13], $0x500  }
0xea: {  	[sflag:s13] =	ssyncset.done $0x0  }
0xeb: {  	s24 =	simm.s32 $0x0;
	s25 =	simm.s32 $0x40;
	[sflag:s13] =	ssyncadd.s32 $0xFFFFFB00  }
.LBB2_18:
0xec: {  	p0 =	sne.s32 s25, $0x13C0;
	v0 =	vld [tilespmem:s24+$0x0];
	_ =	sdelay $0x3  }
.Ltmp8:
0xed: {  	(pc) =	sbr.rel @p0 .LBB2_18-.Ltmp8, $4  }
0xee: {  	v0 =	vadd.s32 $0x1, v0  }
0xef: {  	vm0 =	vgt.s32 v0, $0x0  }
0xf0: {  	v0 =	vnsel vm0, $0x0, v0  }
0xf1: {  	[tilespmem:s24+$0x0] =	vst v0;
	s24 =	sshra.s32 s25, $0x2;
	s25 =	sadd.s32 $0x40, s25  }
0xf2: {  	v0 =	vld [tilespmem:s24+$0x0];
	_ =	sdelay $0x4  }
0xf3: {  	v0 =	vadd.s32 $0x1, v0  }
0xf4: {  	vm0 =	vgt.s32 v0, $0x0  }
0xf5: {  	v0 =	vnsel vm0, $0x0, v0  }
0xf6: {  	[tilespmem:s24+$0x0] =	vst v0;
	s24 =	simm.s32 $0x0  }
0xf7: {  	[tilespmem:s15], [sflag:$0x1] =	stream.indirect.gather [hbm4b:s11+s14], $0x20, s24, s14, $0xb8;
	[tilespmem:$0x14A00] =	vst v63  }
0xf8: {  	_ =	swait.ge [sflag:s21], $0xA000  }
0xf9: {  	[sflag:s21] =	ssyncset.done $0x0  }
0xfa: {  	[sflag:s21] =	ssyncadd.s32 $0xFFFF6000  }
0xfb: {  	[hbm4b:s30+s18] =	stream.strided.scatter [tilespmem:s16], [sflag:$0x4], $0xA000, s19, s18, $0x38;
	[tilespmem:$0x14A00] =	vst v63  }
0xfc: {  	_ =	swait.ge [sflag:s22], $0xA000  }
0xfd: {  	[sflag:s22] =	ssyncset.done $0x0  }
0xfe: {  	s25 =	rddreg [dreg:$0xc];
	[sflag:s22] =	ssyncadd.s32 $0xFFFF6000  }
0xff: {  	[tilespmem:s14], [sflag:$0x5] =	stream.linear.gather [hbm4b:s25+s24], $0x500, $0x38;
	[tilespmem:$0x14A00] =	vst v63  }
0x100: {  	_ =	swait.ge [sflag:s13], $0x500  }
0x101: {  	[sflag:s13] =	ssyncset.done $0x0  }
0x102: {  	s24 =	simm.s32 $0x0;
	s25 =	simm.s32 $0x40;
	[sflag:s13] =	ssyncadd.s32 $0xFFFFFB00  }
.LBB2_20:
0x103: {  	p0 =	sne.s32 s25, $0x13C0;
	v0 =	vld [tilespmem:s24+$0x500];
	_ =	sdelay $0x3  }
.Ltmp9:
0x104: {  	(pc) =	sbr.rel @p0 .LBB2_20-.Ltmp9, $4  }
0x105: {  	v0 =	vadd.s32 $0x1, v0  }
0x106: {  	vm0 =	vgt.s32 v0, $0x0  }
0x107: {  	v0 =	vnsel vm0, $0x0, v0  }
0x108: {  	[tilespmem:s24+$0x500] =	vst v0;
	s24 =	sshra.s32 s25, $0x2;
	s25 =	sadd.s32 $0x40, s25  }
0x109: {  	v0 =	vld [tilespmem:s24+$0x500];
	_ =	sdelay $0x4  }
0x10a: {  	v0 =	vadd.s32 $0x1, v0  }
0x10b: {  	vm0 =	vgt.s32 v0, $0x0  }
0x10c: {  	v0 =	vnsel vm0, $0x0, v0  }
0x10d: {  	[tilespmem:s24+$0x500] =	vst v0  }
0x10e: {  	[tilespmem:s16], [sflag:$0x2] =	stream.indirect.gather [hbm4b:s11+s14], $0x20, s14, s14, $0xb8;
	[tilespmem:$0x14A00] =	vst v63  }
0x10f: {  	_ =	swait.ge [sflag:s17], $0xA000  }
0x110: {  	[sflag:s17] =	ssyncset.done $0x0  }
0x111: {  	[sflag:s17] =	ssyncadd.s32 $0xFFFF6000  }
0x112: {  	[hbm4b:s31+s18] =	stream.strided.scatter [tilespmem:s15], [sflag:$0x3], $0xA000, s19, s18, $0x38;
	[tilespmem:$0x14A00] =	vst v63  }
0x113: {  	_ =	swait.ge [sflag:s20], $0xA000  }
0x114: {  	[sflag:s20] =	ssyncset.done $0x0  }
0x115: {  	s24 =	simm.s32 $0x0;
	s25 =	rddreg [dreg:$0xd];
	[sflag:s20] =	ssyncadd.s32 $0xFFFF6000  }
0x116: {  	[tilespmem:s24], [sflag:$0x5] =	stream.linear.gather [hbm4b:s25+s24], $0x500, $0x38;
	[tilespmem:$0x14A00] =	vst v63  }
0x117: {  	_ =	swait.ge [sflag:s13], $0x500  }
0x118: {  	[sflag:s13] =	ssyncset.done $0x0  }
0x119: {  	s24 =	simm.s32 $0x0;
	s25 =	simm.s32 $0x40;
	[sflag:s13] =	ssyncadd.s32 $0xFFFFFB00  }
.LBB2_22:
0x11a: {  	p0 =	sne.s32 s25, $0x13C0;
	v0 =	vld [tilespmem:s24+$0x0];
	_ =	sdelay $0x3  }
.Ltmp10:
0x11b: {  	(pc) =	sbr.rel @p0 .LBB2_22-.Ltmp10, $4  }
0x11c: {  	v0 =	vadd.s32 $0x1, v0  }
0x11d: {  	vm0 =	vgt.s32 v0, $0x0  }
0x11e: {  	v0 =	vnsel vm0, $0x0, v0  }
0x11f: {  	[tilespmem:s24+$0x0] =	vst v0;
	s24 =	sshra.s32 s25, $0x2;
	s25 =	sadd.s32 $0x40, s25  }
0x120: {  	v0 =	vld [tilespmem:s24+$0x0];
	_ =	sdelay $0x4  }
0x121: {  	v0 =	vadd.s32 $0x1, v0  }
0x122: {  	vm0 =	vgt.s32 v0, $0x0  }
0x123: {  	v0 =	vnsel vm0, $0x0, v0  }
0x124: {  	[tilespmem:s24+$0x0] =	vst v0;
	s24 =	simm.s32 $0x0  }
0x125: {  	[tilespmem:s15], [sflag:$0x1] =	stream.indirect.gather [hbm4b:s11+s14], $0x20, s24, s14, $0xb8;
	[tilespmem:$0x14A00] =	vst v63  }
0x126: {  	_ =	swait.ge [sflag:s21], $0xA000  }
0x127: {  	[sflag:s21] =	ssyncset.done $0x0  }
0x128: {  	[sflag:s21] =	ssyncadd.s32 $0xFFFF6000  }
0x129: {  	[hbm4b:s0+s18] =	stream.strided.scatter [tilespmem:s16], [sflag:$0x4], $0xA000, s19, s18, $0x38;
	[tilespmem:$0x14A00] =	vst v63  }
0x12a: {  	_ =	swait.ge [sflag:s22], $0xA000  }
0x12b: {  	[sflag:s22] =	ssyncset.done $0x0  }
0x12c: {  	s25 =	rddreg [dreg:$0xe];
	[sflag:s22] =	ssyncadd.s32 $0xFFFF6000  }
0x12d: {  	[tilespmem:s14], [sflag:$0x5] =	stream.linear.gather [hbm4b:s25+s24], $0x500, $0x38;
	[tilespmem:$0x14A00] =	vst v63  }
0x12e: {  	_ =	swait.ge [sflag:s13], $0x500  }
0x12f: {  	[sflag:s13] =	ssyncset.done $0x0  }
0x130: {  	s24 =	simm.s32 $0x0;
	s25 =	simm.s32 $0x40;
	[sflag:s13] =	ssyncadd.s32 $0xFFFFFB00  }
.LBB2_24:
0x131: {  	p0 =	sne.s32 s25, $0x13C0;
	v0 =	vld [tilespmem:s24+$0x500];
	_ =	sdelay $0x3  }
.Ltmp11:
0x132: {  	(pc) =	sbr.rel @p0 .LBB2_24-.Ltmp11, $4  }
0x133: {  	v0 =	vadd.s32 $0x1, v0  }
0x134: {  	vm0 =	vgt.s32 v0, $0x0  }
0x135: {  	v0 =	vnsel vm0, $0x0, v0  }
0x136: {  	[tilespmem:s24+$0x500] =	vst v0;
	s24 =	sshra.s32 s25, $0x2;
	s25 =	sadd.s32 $0x40, s25  }
0x137: {  	v0 =	vld [tilespmem:s24+$0x500];
	_ =	sdelay $0x4  }
0x138: {  	v0 =	vadd.s32 $0x1, v0  }
0x139: {  	vm0 =	vgt.s32 v0, $0x0  }
0x13a: {  	v0 =	vnsel vm0, $0x0, v0  }
0x13b: {  	[tilespmem:s24+$0x500] =	vst v0  }
0x13c: {  	[tilespmem:s16], [sflag:$0x2] =	stream.indirect.gather [hbm4b:s11+s14], $0x20, s14, s14, $0xb8;
	[tilespmem:$0x14A00] =	vst v63  }
0x13d: {  	_ =	swait.ge [sflag:s17], $0xA000  }
0x13e: {  	[sflag:s17] =	ssyncset.done $0x0  }
0x13f: {  	[sflag:s17] =	ssyncadd.s32 $0xFFFF6000  }
0x140: {  	[hbm4b:s1+s18] =	stream.strided.scatter [tilespmem:s15], [sflag:$0x3], $0xA000, s19, s18, $0x38;
	[tilespmem:$0x14A00] =	vst v63  }
0x141: {  	_ =	swait.ge [sflag:s20], $0xA000  }
0x142: {  	[sflag:s20] =	ssyncset.done $0x0  }
0x143: {  	s24 =	simm.s32 $0x0;
	s25 =	rddreg [dreg:$0xf];
	[sflag:s20] =	ssyncadd.s32 $0xFFFF6000  }
0x144: {  	[tilespmem:s24], [sflag:$0x5] =	stream.linear.gather [hbm4b:s25+s24], $0x500, $0x38;
	[tilespmem:$0x14A00] =	vst v63  }
0x145: {  	_ =	swait.ge [sflag:s13], $0x500  }
0x146: {  	[sflag:s13] =	ssyncset.done $0x0  }
0x147: {  	s24 =	simm.s32 $0x0;
	s25 =	simm.s32 $0x40;
	[sflag:s13] =	ssyncadd.s32 $0xFFFFFB00  }
.LBB2_26:
0x148: {  	p0 =	sne.s32 s25, $0x13C0;
	v0 =	vld [tilespmem:s24+$0x0];
	_ =	sdelay $0x3  }
.Ltmp12:
0x149: {  	(pc) =	sbr.rel @p0 .LBB2_26-.Ltmp12, $4  }
0x14a: {  	v0 =	vadd.s32 $0x1, v0  }
0x14b: {  	vm0 =	vgt.s32 v0, $0x0  }
0x14c: {  	v0 =	vnsel vm0, $0x0, v0  }
0x14d: {  	[tilespmem:s24+$0x0] =	vst v0;
	s24 =	sshra.s32 s25, $0x2;
	s25 =	sadd.s32 $0x40, s25  }
0x14e: {  	v0 =	vld [tilespmem:s24+$0x0];
	_ =	sdelay $0x4  }
0x14f: {  	v0 =	vadd.s32 $0x1, v0  }
0x150: {  	vm0 =	vgt.s32 v0, $0x0  }
0x151: {  	v0 =	vnsel vm0, $0x0, v0  }
0x152: {  	[tilespmem:s24+$0x0] =	vst v0;
	s24 =	simm.s32 $0x0  }
0x153: {  	[tilespmem:s15], [sflag:$0x1] =	stream.indirect.gather [hbm4b:s11+s14], $0x20, s24, s14, $0xb8;
	[tilespmem:$0x14A00] =	vst v63  }
0x154: {  	_ =	swait.ge [sflag:s21], $0xA000  }
0x155: {  	[sflag:s21] =	ssyncset.done $0x0  }
0x156: {  	[sflag:s21] =	ssyncadd.s32 $0xFFFF6000  }
0x157: {  	[hbm4b:s2+s18] =	stream.strided.scatter [tilespmem:s16], [sflag:$0x4], $0xA000, s19, s18, $0x38;
	[tilespmem:$0x14A00] =	vst v63  }
0x158: {  	_ =	swait.ge [sflag:s22], $0xA000  }
0x159: {  	[sflag:s22] =	ssyncset.done $0x0  }
0x15a: {  	s25 =	rddreg [dreg:$0x10];
	[sflag:s22] =	ssyncadd.s32 $0xFFFF6000  }
0x15b: {  	[tilespmem:s14], [sflag:$0x5] =	stream.linear.gather [hbm4b:s25+s24], $0x500, $0x38;
	[tilespmem:$0x14A00] =	vst v63  }
0x15c: {  	_ =	swait.ge [sflag:s13], $0x500  }
0x15d: {  	[sflag:s13] =	ssyncset.done $0x0  }
0x15e: {  	s24 =	simm.s32 $0x0;
	s25 =	simm.s32 $0x40;
	[sflag:s13] =	ssyncadd.s32 $0xFFFFFB00  }
.LBB2_28:
0x15f: {  	p0 =	sne.s32 s25, $0x13C0;
	v0 =	vld [tilespmem:s24+$0x500];
	_ =	sdelay $0x3  }
.Ltmp13:
0x160: {  	(pc) =	sbr.rel @p0 .LBB2_28-.Ltmp13, $4  }
0x161: {  	v0 =	vadd.s32 $0x1, v0  }
0x162: {  	vm0 =	vgt.s32 v0, $0x0  }
0x163: {  	v0 =	vnsel vm0, $0x0, v0  }
0x164: {  	[tilespmem:s24+$0x500] =	vst v0;
	s24 =	sshra.s32 s25, $0x2;
	s25 =	sadd.s32 $0x40, s25  }
0x165: {  	v0 =	vld [tilespmem:s24+$0x500];
	_ =	sdelay $0x4  }
0x166: {  	v0 =	vadd.s32 $0x1, v0  }
0x167: {  	vm0 =	vgt.s32 v0, $0x0  }
0x168: {  	v0 =	vnsel vm0, $0x0, v0  }
0x169: {  	[tilespmem:s24+$0x500] =	vst v0  }
0x16a: {  	[tilespmem:s16], [sflag:$0x2] =	stream.indirect.gather [hbm4b:s11+s14], $0x20, s14, s14, $0xb8;
	[tilespmem:$0x14A00] =	vst v63  }
0x16b: {  	_ =	swait.ge [sflag:s17], $0xA000  }
0x16c: {  	[sflag:s17] =	ssyncset.done $0x0  }
0x16d: {  	[sflag:s17] =	ssyncadd.s32 $0xFFFF6000  }
0x16e: {  	[hbm4b:s3+s18] =	stream.strided.scatter [tilespmem:s15], [sflag:$0x3], $0xA000, s19, s18, $0x38;
	[tilespmem:$0x14A00] =	vst v63  }
0x16f: {  	_ =	swait.ge [sflag:s20], $0xA000  }
0x170: {  	[sflag:s20] =	ssyncset.done $0x0  }
0x171: {  	s24 =	simm.s32 $0x0;
	s25 =	rddreg [dreg:$0x11];
	[sflag:s20] =	ssyncadd.s32 $0xFFFF6000  }
0x172: {  	[tilespmem:s24], [sflag:$0x5] =	stream.linear.gather [hbm4b:s25+s24], $0x500, $0x38;
	[tilespmem:$0x14A00] =	vst v63  }
0x173: {  	_ =	swait.ge [sflag:s13], $0x500  }
0x174: {  	[sflag:s13] =	ssyncset.done $0x0  }
0x175: {  	s24 =	simm.s32 $0x0;
	s25 =	simm.s32 $0x40;
	[sflag:s13] =	ssyncadd.s32 $0xFFFFFB00  }
.LBB2_30:
0x176: {  	p0 =	sne.s32 s25, $0x13C0;
	v0 =	vld [tilespmem:s24+$0x0];
	_ =	sdelay $0x3  }
.Ltmp14:
0x177: {  	(pc) =	sbr.rel @p0 .LBB2_30-.Ltmp14, $4  }
0x178: {  	v0 =	vadd.s32 $0x1, v0  }
0x179: {  	vm0 =	vgt.s32 v0, $0x0  }
0x17a: {  	v0 =	vnsel vm0, $0x0, v0  }
0x17b: {  	[tilespmem:s24+$0x0] =	vst v0;
	s24 =	sshra.s32 s25, $0x2;
	s25 =	sadd.s32 $0x40, s25  }
0x17c: {  	v0 =	vld [tilespmem:s24+$0x0];
	_ =	sdelay $0x4  }
0x17d: {  	v0 =	vadd.s32 $0x1, v0  }
0x17e: {  	vm0 =	vgt.s32 v0, $0x0  }
0x17f: {  	v0 =	vnsel vm0, $0x0, v0  }
0x180: {  	[tilespmem:s24+$0x0] =	vst v0;
	s24 =	simm.s32 $0x0  }
0x181: {  	[tilespmem:s15], [sflag:$0x1] =	stream.indirect.gather [hbm4b:s11+s14], $0x20, s24, s14, $0xb8;
	[tilespmem:$0x14A00] =	vst v63  }
0x182: {  	_ =	swait.ge [sflag:s21], $0xA000  }
0x183: {  	[sflag:s21] =	ssyncset.done $0x0  }
0x184: {  	[sflag:s21] =	ssyncadd.s32 $0xFFFF6000  }
0x185: {  	[hbm4b:s4+s18] =	stream.strided.scatter [tilespmem:s16], [sflag:$0x4], $0xA000, s19, s18, $0x38;
	[tilespmem:$0x14A00] =	vst v63  }
0x186: {  	_ =	swait.ge [sflag:s22], $0xA000  }
0x187: {  	[sflag:s22] =	ssyncset.done $0x0  }
0x188: {  	s25 =	rddreg [dreg:$0x12];
	[sflag:s22] =	ssyncadd.s32 $0xFFFF6000  }
0x189: {  	[tilespmem:s14], [sflag:$0x5] =	stream.linear.gather [hbm4b:s25+s24], $0x500, $0x38;
	[tilespmem:$0x14A00] =	vst v63  }
0x18a: {  	_ =	swait.ge [sflag:s13], $0x500  }
0x18b: {  	[sflag:s13] =	ssyncset.done $0x0  }
0x18c: {  	s24 =	simm.s32 $0x0;
	s25 =	simm.s32 $0x40;
	[sflag:s13] =	ssyncadd.s32 $0xFFFFFB00  }
.LBB2_32:
0x18d: {  	p0 =	sne.s32 s25, $0x13C0;
	v0 =	vld [tilespmem:s24+$0x500];
	_ =	sdelay $0x3  }
.Ltmp15:
0x18e: {  	(pc) =	sbr.rel @p0 .LBB2_32-.Ltmp15, $4  }
0x18f: {  	v0 =	vadd.s32 $0x1, v0  }
0x190: {  	vm0 =	vgt.s32 v0, $0x0  }
0x191: {  	v0 =	vnsel vm0, $0x0, v0  }
0x192: {  	[tilespmem:s24+$0x500] =	vst v0;
	s24 =	sshra.s32 s25, $0x2;
	s25 =	sadd.s32 $0x40, s25  }
0x193: {  	v0 =	vld [tilespmem:s24+$0x500];
	_ =	sdelay $0x4  }
0x194: {  	v0 =	vadd.s32 $0x1, v0  }
0x195: {  	vm0 =	vgt.s32 v0, $0x0  }
0x196: {  	v0 =	vnsel vm0, $0x0, v0  }
0x197: {  	[tilespmem:s24+$0x500] =	vst v0  }
0x198: {  	[tilespmem:s16], [sflag:$0x2] =	stream.indirect.gather [hbm4b:s11+s14], $0x20, s14, s14, $0xb8;
	[tilespmem:$0x14A00] =	vst v63  }
0x199: {  	_ =	swait.ge [sflag:s17], $0xA000  }
0x19a: {  	[sflag:s17] =	ssyncset.done $0x0  }
0x19b: {  	[sflag:s17] =	ssyncadd.s32 $0xFFFF6000  }
0x19c: {  	[hbm4b:s5+s18] =	stream.strided.scatter [tilespmem:s15], [sflag:$0x3], $0xA000, s19, s18, $0x38;
	[tilespmem:$0x14A00] =	vst v63  }
0x19d: {  	_ =	swait.ge [sflag:s20], $0xA000  }
0x19e: {  	[sflag:s20] =	ssyncset.done $0x0  }
0x19f: {  	s24 =	simm.s32 $0x0;
	s25 =	rddreg [dreg:$0x13];
	[sflag:s20] =	ssyncadd.s32 $0xFFFF6000  }
0x1a0: {  	[tilespmem:s24], [sflag:$0x5] =	stream.linear.gather [hbm4b:s25+s24], $0x500, $0x38;
	[tilespmem:$0x14A00] =	vst v63  }
0x1a1: {  	_ =	swait.ge [sflag:s13], $0x500  }
0x1a2: {  	[sflag:s13] =	ssyncset.done $0x0  }
0x1a3: {  	s24 =	simm.s32 $0x0;
	s25 =	simm.s32 $0x40;
	[sflag:s13] =	ssyncadd.s32 $0xFFFFFB00  }
.LBB2_34:
0x1a4: {  	p0 =	sne.s32 s25, $0x13C0;
	v0 =	vld [tilespmem:s24+$0x0];
	_ =	sdelay $0x3  }
.Ltmp16:
0x1a5: {  	(pc) =	sbr.rel @p0 .LBB2_34-.Ltmp16, $4  }
0x1a6: {  	v0 =	vadd.s32 $0x1, v0  }
0x1a7: {  	vm0 =	vgt.s32 v0, $0x0  }
0x1a8: {  	v0 =	vnsel vm0, $0x0, v0  }
0x1a9: {  	[tilespmem:s24+$0x0] =	vst v0;
	s24 =	sshra.s32 s25, $0x2;
	s25 =	sadd.s32 $0x40, s25  }
0x1aa: {  	v0 =	vld [tilespmem:s24+$0x0];
	_ =	sdelay $0x4  }
0x1ab: {  	v0 =	vadd.s32 $0x1, v0  }
0x1ac: {  	vm0 =	vgt.s32 v0, $0x0  }
0x1ad: {  	v0 =	vnsel vm0, $0x0, v0  }
0x1ae: {  	[tilespmem:s24+$0x0] =	vst v0;
	s24 =	simm.s32 $0x0  }
0x1af: {  	[tilespmem:s15], [sflag:$0x1] =	stream.indirect.gather [hbm4b:s11+s14], $0x20, s24, s14, $0xb8;
	[tilespmem:$0x14A00] =	vst v63  }
0x1b0: {  	_ =	swait.ge [sflag:s21], $0xA000  }
0x1b1: {  	[sflag:s21] =	ssyncset.done $0x0  }
0x1b2: {  	[sflag:s21] =	ssyncadd.s32 $0xFFFF6000  }
0x1b3: {  	[hbm4b:s6+s18] =	stream.strided.scatter [tilespmem:s16], [sflag:$0x4], $0xA000, s19, s18, $0x38;
	[tilespmem:$0x14A00] =	vst v63  }
0x1b4: {  	_ =	swait.ge [sflag:s22], $0xA000  }
0x1b5: {  	[sflag:s22] =	ssyncset.done $0x0  }
0x1b6: {  	s25 =	rddreg [dreg:$0x14];
	[sflag:s22] =	ssyncadd.s32 $0xFFFF6000  }
0x1b7: {  	[tilespmem:s14], [sflag:$0x5] =	stream.linear.gather [hbm4b:s25+s24], $0x500, $0x38;
	[tilespmem:$0x14A00] =	vst v63  }
0x1b8: {  	_ =	swait.ge [sflag:s13], $0x500  }
0x1b9: {  	[sflag:s13] =	ssyncset.done $0x0  }
0x1ba: {  	s24 =	simm.s32 $0x0;
	s25 =	simm.s32 $0x40;
	[sflag:s13] =	ssyncadd.s32 $0xFFFFFB00  }
.LBB2_36:
0x1bb: {  	p0 =	sne.s32 s25, $0x13C0;
	v0 =	vld [tilespmem:s24+$0x500];
	_ =	sdelay $0x3  }
.Ltmp17:
0x1bc: {  	(pc) =	sbr.rel @p0 .LBB2_36-.Ltmp17, $4  }
0x1bd: {  	v0 =	vadd.s32 $0x1, v0  }
0x1be: {  	vm0 =	vgt.s32 v0, $0x0  }
0x1bf: {  	v0 =	vnsel vm0, $0x0, v0  }
0x1c0: {  	[tilespmem:s24+$0x500] =	vst v0;
	s24 =	sshra.s32 s25, $0x2;
	s25 =	sadd.s32 $0x40, s25  }
0x1c1: {  	v0 =	vld [tilespmem:s24+$0x500];
	_ =	sdelay $0x4  }
0x1c2: {  	v0 =	vadd.s32 $0x1, v0  }
0x1c3: {  	vm0 =	vgt.s32 v0, $0x0  }
0x1c4: {  	v0 =	vnsel vm0, $0x0, v0  }
0x1c5: {  	[tilespmem:s24+$0x500] =	vst v0  }
0x1c6: {  	[tilespmem:s16], [sflag:$0x2] =	stream.indirect.gather [hbm4b:s11+s14], $0x20, s14, s14, $0xb8;
	[tilespmem:$0x14A00] =	vst v63  }
0x1c7: {  	_ =	swait.ge [sflag:s17], $0xA000  }
0x1c8: {  	[sflag:s17] =	ssyncset.done $0x0  }
0x1c9: {  	[sflag:s17] =	ssyncadd.s32 $0xFFFF6000  }
0x1ca: {  	[hbm4b:s7+s18] =	stream.strided.scatter [tilespmem:s15], [sflag:$0x3], $0xA000, s19, s18, $0x38;
	[tilespmem:$0x14A00] =	vst v63  }
0x1cb: {  	_ =	swait.ge [sflag:s20], $0xA000  }
0x1cc: {  	[sflag:s20] =	ssyncset.done $0x0  }
0x1cd: {  	s24 =	simm.s32 $0x0;
	s25 =	rddreg [dreg:$0x15];
	[sflag:s20] =	ssyncadd.s32 $0xFFFF6000  }
0x1ce: {  	[tilespmem:s24], [sflag:$0x5] =	stream.linear.gather [hbm4b:s25+s24], $0x500, $0x38;
	[tilespmem:$0x14A00] =	vst v63  }
0x1cf: {  	_ =	swait.ge [sflag:s13], $0x500  }
0x1d0: {  	[sflag:s13] =	ssyncset.done $0x0  }
0x1d1: {  	s24 =	simm.s32 $0x0;
	s25 =	simm.s32 $0x40;
	[sflag:s13] =	ssyncadd.s32 $0xFFFFFB00  }
.LBB2_38:
0x1d2: {  	p0 =	sne.s32 s25, $0x13C0;
	v0 =	vld [tilespmem:s24+$0x0];
	_ =	sdelay $0x3  }
.Ltmp18:
0x1d3: {  	(pc) =	sbr.rel @p0 .LBB2_38-.Ltmp18, $4  }
0x1d4: {  	v0 =	vadd.s32 $0x1, v0  }
0x1d5: {  	vm0 =	vgt.s32 v0, $0x0  }
0x1d6: {  	v0 =	vnsel vm0, $0x0, v0  }
0x1d7: {  	[tilespmem:s24+$0x0] =	vst v0;
	s24 =	sshra.s32 s25, $0x2;
	s25 =	sadd.s32 $0x40, s25  }
0x1d8: {  	v0 =	vld [tilespmem:s24+$0x0];
	_ =	sdelay $0x4  }
0x1d9: {  	v0 =	vadd.s32 $0x1, v0  }
0x1da: {  	vm0 =	vgt.s32 v0, $0x0  }
0x1db: {  	v0 =	vnsel vm0, $0x0, v0  }
0x1dc: {  	[tilespmem:s24+$0x0] =	vst v0;
	s24 =	simm.s32 $0x0  }
0x1dd: {  	[tilespmem:s15], [sflag:$0x1] =	stream.indirect.gather [hbm4b:s11+s14], $0x20, s24, s14, $0xb8;
	[tilespmem:$0x14A00] =	vst v63  }
0x1de: {  	_ =	swait.ge [sflag:s21], $0xA000  }
0x1df: {  	[sflag:s21] =	ssyncset.done $0x0  }
0x1e0: {  	[sflag:s21] =	ssyncadd.s32 $0xFFFF6000  }
0x1e1: {  	[hbm4b:s8+s18] =	stream.strided.scatter [tilespmem:s16], [sflag:$0x4], $0xA000, s19, s18, $0x38;
	[tilespmem:$0x14A00] =	vst v63  }
0x1e2: {  	_ =	swait.ge [sflag:s22], $0xA000  }
0x1e3: {  	[sflag:s22] =	ssyncset.done $0x0  }
0x1e4: {  	s25 =	rddreg [dreg:$0x16];
	[sflag:s22] =	ssyncadd.s32 $0xFFFF6000  }
0x1e5: {  	[tilespmem:s14], [sflag:$0x5] =	stream.linear.gather [hbm4b:s25+s24], $0x500, $0x38;
	[tilespmem:$0x14A00] =	vst v63  }
0x1e6: {  	_ =	swait.ge [sflag:s13], $0x500  }
0x1e7: {  	[sflag:s13] =	ssyncset.done $0x0  }
0x1e8: {  	s24 =	simm.s32 $0x0;
	s25 =	simm.s32 $0x40;
	[sflag:s13] =	ssyncadd.s32 $0xFFFFFB00  }
.LBB2_40:
0x1e9: {  	p0 =	sne.s32 s25, $0x13C0;
	v0 =	vld [tilespmem:s24+$0x500];
	_ =	sdelay $0x3  }
.Ltmp19:
0x1ea: {  	(pc) =	sbr.rel @p0 .LBB2_40-.Ltmp19, $4  }
0x1eb: {  	v0 =	vadd.s32 $0x1, v0  }
0x1ec: {  	vm0 =	vgt.s32 v0, $0x0  }
0x1ed: {  	v0 =	vnsel vm0, $0x0, v0  }
0x1ee: {  	[tilespmem:s24+$0x500] =	vst v0;
	s24 =	sshra.s32 s25, $0x2;
	s25 =	sadd.s32 $0x40, s25  }
0x1ef: {  	v0 =	vld [tilespmem:s24+$0x500];
	_ =	sdelay $0x4  }
0x1f0: {  	v0 =	vadd.s32 $0x1, v0  }
0x1f1: {  	vm0 =	vgt.s32 v0, $0x0  }
0x1f2: {  	v0 =	vnsel vm0, $0x0, v0  }
0x1f3: {  	[tilespmem:s24+$0x500] =	vst v0  }
0x1f4: {  	[tilespmem:s16], [sflag:$0x2] =	stream.indirect.gather [hbm4b:s11+s14], $0x20, s14, s14, $0xb8;
	[tilespmem:$0x14A00] =	vst v63  }
0x1f5: {  	_ =	swait.ge [sflag:s17], $0xA000  }
0x1f6: {  	[sflag:s17] =	ssyncset.done $0x0  }
0x1f7: {  	[sflag:s17] =	ssyncadd.s32 $0xFFFF6000  }
0x1f8: {  	[hbm4b:s9+s18] =	stream.strided.scatter [tilespmem:s15], [sflag:$0x3], $0xA000, s19, s18, $0x38;
	[tilespmem:$0x14A00] =	vst v63  }
0x1f9: {  	_ =	swait.ge [sflag:s21], $0xA000  }
0x1fa: {  	[sflag:s21] =	ssyncset.done $0x0  }
0x1fb: {  	s23 =	sadd.s32 $0x1, s23;
	[sflag:s21] =	ssyncadd.s32 $0xFFFF6000  }
0x1fc: {  	[hbm4b:s10+s18] =	stream.strided.scatter [tilespmem:s16], [sflag:$0x4], $0xA000, s19, s18, $0x38;
	[tilespmem:$0x14A00] =	vst v63  }
0x1fd: {  	p0 =	sne.s32 s23, s12;
	_ =	swait.ge [sflag:s20], $0xA000  }
.Ltmp20:
0x1fe: {  	[sflag:s20] =	ssyncset.done $0x0;
	(pc) =	sbr.rel @p0 .LBB2_1-.Ltmp20, $4  }
0x1ff: {  	[sflag:s20] =	ssyncadd.s32 $0xFFFF6000  }
0x200: {  	_ =	swait.ge [sflag:s22], $0xA000  }
0x201: {  	[sflag:s22] =	ssyncset.done $0x0  }
0x202: {  	[sflag:s22] =	ssyncadd.s32 $0xFFFF6000  }
0x203: {  	_ =	sfence.sel $0x180000  }
0x204: {  	[bflag:$0x0] =	sbarrier.arrive $0xFFFF  }
0x205: {  	_ =	strace $0x90000047  }
0x206: {  	s0 =	stileid.u32;
	[bflag:$0x2] =	sbarrier.arrive $0xFFFF  }
0x207: {  	p0 =	sne.s32 s0, $0x0;
	s0 =	rddreg [dreg:$0x2]  }
0x208: {  	s0 =	sadd.s32 @!p0 $0x100000, s0  }
0x209: {  	[sflag:s0] =	ssyncadd.tile.s32 @!p0 $0x1;
	_ =	shalt  }
.Lfunc_end2:
_tile_overlayer_lowered:
.L_overlay_start_2:
0x20a: {  	(tag) =	ssettag $0x2  }
0x20b: {  	s0 =	rddreg [dreg:$0x0];
	s2 =	stileid.u32  }
0x20c: {  	s1 =	rddreg [dreg:$0x1];
	p0 =	sne.s32 s2, $0x0  }
0x20d: {  	s3 =	rddreg [dreg:$0x2];
	[bflag:$0x3] =	sbarrier.arrive $0xFFFF;
	s2 =	simm.s32 @!p0 $0x1C05  }
0x20e: {  	[timem:s3], [sflag:s2] =	dma.local @!p0 [hbm:s0], s1  }
0x20f: {  	s0 =	simm.s32 @!p0 $0x5  }
0x210: {  	_ =	swait.ge @!p0 [sflag:s0], s1  }
0x211: {  	s1 =	ssub.s32 @!p0 $0x0, s1;
	[sflag:s0] =	ssyncset.done @!p0 $0x0  }
0x212: {  	[sflag:s0] =	ssyncadd.s32 @!p0 s1  }
0x213: {  	[bflag:$0x3] =	sbarrier.arrive $0xFFFF  }
0x214: {  	_ =	shalt  }

</sc_bundles>
